<compile_context>
chip_gen: v7x
topology: tpu7x:2x2x1
jax: 0.10.2.dev20260603
libtpu: 0.0.44.dev20260713+nightly
codegen_flags: <defaults>
</compile_context>

<pallas_src>
import functools

import jax
import jax.numpy as jnp
from jax import lax
from jax.experimental import pallas as pl
from jax.experimental.pallas import tpu as pltpu
from jax.experimental.pallas import tpu_sc as plsc

_NUM_EMB = 8192
_DIM = 256
_COMMIT = 0.25

_MBLK = 2048
_NBLK = 256
_NSTEPS = _NUM_EMB // _NBLK


def _argmin_body(x_ref, xsq_ref, emb_ref, ysq_ref, codes_ref, dsum_ref,
                 acc_ref, rm_s, rj_s):
    i = pl.program_id(0)
    last = pl.num_programs(0) - 1

    @pl.when(i > 0)
    def _():
        b = lax.rem(i - 1, 2)
        rm = rm_s[b]
        rj = rj_s[b]
        run_min = jnp.min(rm, axis=1, keepdims=True)
        lanes = lax.broadcasted_iota(jnp.int32, rm.shape, 1)
        code_vec = rj * _NBLK + lanes
        run_idx = jnp.min(jnp.where(rm == run_min, code_vec, _NUM_EMB),
                          axis=1, keepdims=True)
        codes_ref[...] = run_idx
        prev = jnp.where(i == 1, 0.0, acc_ref[0, 0])
        acc_ref[0, 0] = prev + jnp.sum(run_min)

        @pl.when(i == last)
        def _():
            dsum_ref[0, 0] = acc_ref[0, 0]

    @pl.when(i < last)
    def _():
        x2 = x_ref[...]
        xsq = xsq_ref[...]

        def dist(j):
            e = emb_ref[pl.ds(j * _NBLK, _NBLK), :]
            ysq = ysq_ref[:, pl.ds(j * _NBLK, _NBLK)]
            s2 = lax.dot_general(x2, e, (((1,), (1,)), ((), ())),
                                 preferred_element_type=jnp.float32)
            return (xsq + ysq) - s2

        rm = None
        rj = None
        for k in range(_NSTEPS // 2):
            d0 = dist(2 * k)
            d1 = dist(2 * k + 1)
            m2 = jnp.minimum(d0, d1)
            j2 = jnp.where(d1 < d0, 2 * k + 1, 2 * k).astype(jnp.int32)
            if rm is None:
                rm, rj = m2, j2
            else:
                better = m2 < rm
                rm = jnp.minimum(m2, rm)
                rj = jnp.where(better, j2, rj)

        b = lax.rem(i, 2)
        rm_s[b] = rm
        rj_s[b] = rj


def _argmin_codes(flat_x2_bf, x_sq, emb_bf, y_sq):
    n = flat_x2_bf.shape[0]
    nblocks = n // _MBLK
    grid = (nblocks + 1,)
    codes, dsum = pl.pallas_call(
        _argmin_body,
        grid=grid,
        in_specs=[
            pl.BlockSpec((_MBLK, _DIM),
                         lambda i: (jnp.minimum(i, nblocks - 1), 0)),
            pl.BlockSpec((_MBLK, 1),
                         lambda i: (jnp.minimum(i, nblocks - 1), 0)),
            pl.BlockSpec((_NUM_EMB, _DIM), lambda i: (0, 0)),
            pl.BlockSpec((1, _NUM_EMB), lambda i: (0, 0)),
        ],
        out_specs=[
            pl.BlockSpec((_MBLK, 1), lambda i: (jnp.maximum(i, 1) - 1, 0)),
            pl.BlockSpec(memory_space=pltpu.SMEM),
        ],
        out_shape=[
            jax.ShapeDtypeStruct((n, 1), jnp.int32),
            jax.ShapeDtypeStruct((1, 1), jnp.float32),
        ],
        scratch_shapes=[
            pltpu.SMEM((1, 1), jnp.float32),
            pltpu.VMEM((2, _MBLK, _NBLK), jnp.float32),
            pltpu.VMEM((2, _MBLK, _NBLK), jnp.int32),
        ],
    )(flat_x2_bf, x_sq, emb_bf, y_sq)
    return codes.reshape(n), dsum[0, 0]


_SC_CHUNK = 96


def _make_gather(n_rows):
    info = plsc.get_sparse_core_info()
    nw = info.num_cores * info.num_subcores
    per_w = n_rows // nw
    n_chunks = per_w // _SC_CHUNK
    mesh = plsc.VectorSubcoreMesh(core_axis_name="c", subcore_axis_name="s")

    @functools.partial(
        pl.kernel,
        out_type=jax.ShapeDtypeStruct((n_rows, _DIM), jnp.float32),
        mesh=mesh,
        scratch_types=[
            pltpu.VMEM((per_w,), jnp.int32),
            pltpu.VMEM((_SC_CHUNK, _DIM), jnp.float32),
            pltpu.VMEM((_SC_CHUNK, _DIM), jnp.float32),
            pltpu.SemaphoreType.DMA,
            pltpu.SemaphoreType.DMA,
            pltpu.SemaphoreType.DMA,
            pltpu.SemaphoreType.DMA,
        ],
    )
    def gather(table_hbm, idx_hbm, out_hbm, idx_all, rows_a, rows_b,
               gsem_a, gsem_b, ssem_a, ssem_b):
        wid = lax.axis_index("s") * info.num_cores + lax.axis_index("c")
        base_w = wid * per_w
        pltpu.sync_copy(idx_hbm.at[pl.ds(base_w, per_w)], idx_all)
        bufs = (rows_a, rows_b)
        gsems = (gsem_a, gsem_b)
        ssems = (ssem_a, ssem_b)

        def start_gather(c):
            b = c % 2
            return pltpu.async_copy(
                table_hbm.at[idx_all.at[pl.ds(c * _SC_CHUNK, _SC_CHUNK)]],
                bufs[b], gsems[b])

        gs = [start_gather(0), start_gather(1)]
        stores = [None, None]
        for c in range(n_chunks):
            b = c % 2
            gs[b].wait()
            stores[b] = pltpu.async_copy(
                bufs[b],
                out_hbm.at[pl.ds(base_w + c * _SC_CHUNK, _SC_CHUNK)],
                ssems[b])
            if c + 2 < n_chunks:
                stores[b].wait()
                gs[b] = start_gather(c + 2)
        stores[(n_chunks - 2) % 2].wait()
        stores[(n_chunks - 1) % 2].wait()

    return gather


def kernel(inputs, embedding):
    orig_shape = inputs.shape
    flat_x = inputs.reshape(-1, _DIM)
    n = flat_x.shape[0]
    x_sq = jnp.sum(flat_x ** 2, axis=-1, keepdims=True)
    y_sq = jnp.sum(embedding ** 2, axis=-1)[None, :]
    flat_x2_bf = (flat_x + flat_x).astype(jnp.bfloat16)
    emb_bf = embedding.astype(jnp.bfloat16)

    codes_flat, dist_sum = _argmin_codes(flat_x2_bf, x_sq, emb_bf, y_sq)
    quantized = _make_gather(n)(embedding, codes_flat)

    mse = dist_sum / (n * _DIM)
    commitment_loss = _COMMIT * mse
    codebook_loss = mse
    quantized_st = quantized.reshape(orig_shape)
    codes = codes_flat.reshape(orig_shape[:-1])
    return (quantized_st, codes, commitment_loss, codebook_loss)

# --- scband reference (transcript-rebuilt; emitter-appended) ---
"""Pipeline reference for scband-vector-quantizer-ema-20993800143448 (READ-ONLY COPY).

The authoritative reference and input builder live on the scoring server;
editing this copy changes nothing except your own understanding.
"""

import jax, jax.numpy as jnp
import numpy as np

NUM_EMBEDDINGS = 8192
EMBEDDING_DIM = 256
COMMITMENT_COST = 0.25


def setup_inputs(seed: int = 0) -> dict:
    key = jax.random.key(seed)
    k1, k2 = jax.random.split(key)
    inputs = jax.random.normal(k1, (32, 576, 256), dtype=jnp.float32)
    embedding = jax.random.normal(k2, (NUM_EMBEDDINGS, EMBEDDING_DIM), dtype=jnp.float32)
    return {"inputs": inputs, "embedding": embedding}


def _compute_l2_distance(x, y):
    x_sq = jnp.sum(x ** 2, axis=-1, keepdims=True)
    y_sq = jnp.sum(y ** 2, axis=-1)[None, :]
    return x_sq + y_sq - 2.0 * jnp.matmul(x, y.T)


def reference(inputs, embedding):
    orig_shape = inputs.shape
    flat_inputs = inputs.reshape(-1, EMBEDDING_DIM)
    distances = _compute_l2_distance(flat_inputs, embedding)
    encoding_indices = jnp.argmin(distances, axis=-1)
    quantized = jnp.take(embedding, encoding_indices, axis=0).reshape(orig_shape)
    commitment_loss = COMMITMENT_COST * jnp.mean((jax.lax.stop_gradient(quantized) - inputs) ** 2)
    codebook_loss = jnp.mean((quantized - jax.lax.stop_gradient(inputs)) ** 2)
    quantized_st = inputs + jax.lax.stop_gradient(quantized - inputs)
    codes = encoding_indices.reshape(orig_shape[:-1])
    return (quantized_st, codes, commitment_loss, codebook_loss)

if __name__ == "__main__":
    import jax
    _d = setup_inputs()
    print(jax.jit(kernel)(*tuple(_d.values())))

</pallas_src>

<mosaic_0001>
#map = affine_map<(d0, d1) -> (0, 0)>
#map1 = affine_map<(d0, d1) -> (0)>
module attributes {stable_mosaic.version = 14 : i64} {
  func.func @gather(%arg0: i32, %arg1: i32, %arg2: memref<8192x256xf32, #tpu.memory_space<hbm>>, %arg3: memref<18432xi32, #tpu.memory_space<hbm>>, %arg4: memref<18432x256xf32, #tpu.memory_space<hbm>>, %arg5: memref<576xi32, #tpu.memory_space<vmem>>, %arg6: memref<96x256xf32, #tpu.memory_space<vmem>>, %arg7: memref<96x256xf32, #tpu.memory_space<vmem>>, %arg8: memref<!tpu.dma_semaphore, #tpu.memory_space<semaphore_mem>>, %arg9: memref<!tpu.dma_semaphore, #tpu.memory_space<semaphore_mem>>, %arg10: memref<!tpu.dma_semaphore, #tpu.memory_space<semaphore_mem>>, %arg11: memref<!tpu.dma_semaphore, #tpu.memory_space<semaphore_mem>>) attributes {dimension_semantics = [#tpu.dimension_semantics<core_parallel>, #tpu.dimension_semantics<subcore_parallel>], iteration_bounds = array<i64: 2, 16>, scalar_prefetch = 0 : i64, scratch_operands = 7 : i64, tpu.core_type = #tpu.core_type<sc_vector_subcore>, window_params = [{transform_indices = #map}, {transform_indices = #map1}, {transform_indices = #map}]} {
    %mul3A = arith.constant 2 : i32
    %mul3A_0 = arith.muli %arg1, %mul3A : i32
    %add3A = arith.addi %mul3A_0, %arg0 : i32
    %mul3A_1 = arith.constant 576 : i32
    %mul3A_2 = arith.muli %add3A, %mul3A_1 : i32
    "tpu.region"() ({
      %run_scoped3A = tpu.sem_alloc : memref<!tpu.dma_semaphore, #tpu.memory_space<semaphore_mem>>
      %dma_start3A_121 = tpu.memref_slice %arg3[%mul3A_2] : memref<18432xi32, #tpu.memory_space<hbm>> -> memref<576xi32, #tpu.memory_space<hbm>>
      %dma_start3A_122 = tpu.memref_slice %arg3[%mul3A_2] : memref<18432xi32, #tpu.memory_space<hbm>> -> memref<576xi32, #tpu.memory_space<hbm>>
      tpu.enqueue_dma source(%dma_start3A_122 : memref<576xi32, #tpu.memory_space<hbm>>) target(%arg5 : memref<576xi32, #tpu.memory_space<vmem>>) target_semaphore(%run_scoped3A : memref<!tpu.dma_semaphore, #tpu.memory_space<semaphore_mem>>)
      %dma_wait3A_123 = tpu.memref_slice %arg3[%mul3A_2] : memref<18432xi32, #tpu.memory_space<hbm>> -> memref<576xi32, #tpu.memory_space<hbm>>
      %dma_wait3A_124 = tpu.memref_slice %arg3[%mul3A_2] : memref<18432xi32, #tpu.memory_space<hbm>> -> memref<576xi32, #tpu.memory_space<hbm>>
      tpu.wait_dma2 semaphore(%run_scoped3A : memref<!tpu.dma_semaphore, #tpu.memory_space<semaphore_mem>>) src(%dma_wait3A_124 : memref<576xi32, #tpu.memory_space<hbm>>) dst(%arg5 : memref<576xi32, #tpu.memory_space<vmem>>)
      tpu.yield
    }) : () -> ()
    %dma_start3A = arith.constant 0 : i32
    %dma_start3A_3 = tpu.memref_slice %arg5[%dma_start3A] : memref<576xi32, #tpu.memory_space<vmem>> -> memref<96xi32, #tpu.memory_space<vmem>>
    %dma_start3A_4 = arith.constant 0 : i32
    %dma_start3A_5 = arith.constant 0 : i32
    %dma_start3A_6 = tpu.memref_slice %arg2[%dma_start3A_4, %dma_start3A_5] : memref<8192x256xf32, #tpu.memory_space<hbm>> -> memref<8192x256xf32, #tpu.memory_space<hbm>>
    tpu.enqueue_indirect_dma source(%dma_start3A_6 : memref<8192x256xf32, #tpu.memory_space<hbm>>) target(%arg6 : memref<96x256xf32, #tpu.memory_space<vmem>>) offsets(%dma_start3A_3 : memref<96xi32, #tpu.memory_space<vmem>>) semaphore(%arg8 : memref<!tpu.dma_semaphore, #tpu.memory_space<semaphore_mem>>)
    %dma_start3A_7 = arith.constant 96 : i32
    %dma_start3A_8 = tpu.memref_slice %arg5[%dma_start3A_7] : memref<576xi32, #tpu.memory_space<vmem>> -> memref<96xi32, #tpu.memory_space<vmem>>
    %dma_start3A_9 = arith.constant 0 : i32
    %dma_start3A_10 = arith.constant 0 : i32
    %dma_start3A_11 = tpu.memref_slice %arg2[%dma_start3A_9, %dma_start3A_10] : memref<8192x256xf32, #tpu.memory_space<hbm>> -> memref<8192x256xf32, #tpu.memory_space<hbm>>
    tpu.enqueue_indirect_dma source(%dma_start3A_11 : memref<8192x256xf32, #tpu.memory_space<hbm>>) target(%arg7 : memref<96x256xf32, #tpu.memory_space<vmem>>) offsets(%dma_start3A_8 : memref<96xi32, #tpu.memory_space<vmem>>) semaphore(%arg9 : memref<!tpu.dma_semaphore, #tpu.memory_space<semaphore_mem>>)
    %dma_wait3A = arith.constant 0 : i32
    %dma_wait3A_12 = tpu.memref_slice %arg5[%dma_wait3A] : memref<576xi32, #tpu.memory_space<vmem>> -> memref<96xi32, #tpu.memory_space<vmem>>
    %dma_wait3A_13 = arith.constant 0 : i32
    %dma_wait3A_14 = arith.constant 0 : i32
    %dma_wait3A_15 = tpu.memref_slice %arg2[%dma_wait3A_13, %dma_wait3A_14] : memref<8192x256xf32, #tpu.memory_space<hbm>> -> memref<8192x256xf32, #tpu.memory_space<hbm>>
    tpu.wait_indirect_dma semaphore(%arg8 : memref<!tpu.dma_semaphore, #tpu.memory_space<semaphore_mem>>) src(%dma_wait3A_15 : memref<8192x256xf32, #tpu.memory_space<hbm>>) dst(%arg6 : memref<96x256xf32, #tpu.memory_space<vmem>>)
    %add3A_16 = arith.constant 0 : i32
    %add3A_17 = arith.addi %mul3A_2, %add3A_16 : i32
    %dma_start3A_18 = arith.constant 0 : i32
    %dma_start3A_19 = tpu.memref_slice %arg4[%add3A_17, %dma_start3A_18] : memref<18432x256xf32, #tpu.memory_space<hbm>> -> memref<96x256xf32, #tpu.memory_space<hbm>>
    %dma_start3A_20 = arith.constant 0 : i32
    %dma_start3A_21 = tpu.memref_slice %arg4[%add3A_17, %dma_start3A_20] : memref<18432x256xf32, #tpu.memory_space<hbm>> -> memref<96x256xf32, #tpu.memory_space<hbm>>
    tpu.enqueue_dma source(%arg6 : memref<96x256xf32, #tpu.memory_space<vmem>>) target(%dma_start3A_21 : memref<96x256xf32, #tpu.memory_space<hbm>>) target_semaphore(%arg10 : memref<!tpu.dma_semaphore, #tpu.memory_space<semaphore_mem>>)
    %dma_wait3A_22 = arith.constant 0 : i32
    %dma_wait3A_23 = tpu.memref_slice %arg4[%add3A_17, %dma_wait3A_22] : memref<18432x256xf32, #tpu.memory_space<hbm>> -> memref<96x256xf32, #tpu.memory_space<hbm>>
    %dma_wait3A_24 = arith.constant 0 : i32
    %dma_wait3A_25 = tpu.memref_slice %arg4[%add3A_17, %dma_wait3A_24] : memref<18432x256xf32, #tpu.memory_space<hbm>> -> memref<96x256xf32, #tpu.memory_space<hbm>>
    tpu.wait_dma2 semaphore(%arg10 : memref<!tpu.dma_semaphore, #tpu.memory_space<semaphore_mem>>) src(%arg6 : memref<96x256xf32, #tpu.memory_space<vmem>>) dst(%dma_wait3A_25 : memref<96x256xf32, #tpu.memory_space<hbm>>)
    %dma_start3A_26 = arith.constant 192 : i32
    %dma_start3A_27 = tpu.memref_slice %arg5[%dma_start3A_26] : memref<576xi32, #tpu.memory_space<vmem>> -> memref<96xi32, #tpu.memory_space<vmem>>
    %dma_start3A_28 = arith.constant 0 : i32
    %dma_start3A_29 = arith.constant 0 : i32
    %dma_start3A_30 = tpu.memref_slice %arg2[%dma_start3A_28, %dma_start3A_29] : memref<8192x256xf32, #tpu.memory_space<hbm>> -> memref<8192x256xf32, #tpu.memory_space<hbm>>
    tpu.enqueue_indirect_dma source(%dma_start3A_30 : memref<8192x256xf32, #tpu.memory_space<hbm>>) target(%arg6 : memref<96x256xf32, #tpu.memory_space<vmem>>) offsets(%dma_start3A_27 : memref<96xi32, #tpu.memory_space<vmem>>) semaphore(%arg8 : memref<!tpu.dma_semaphore, #tpu.memory_space<semaphore_mem>>)
    %dma_wait3A_31 = arith.constant 96 : i32
    %dma_wait3A_32 = tpu.memref_slice %arg5[%dma_wait3A_31] : memref<576xi32, #tpu.memory_space<vmem>> -> memref<96xi32, #tpu.memory_space<vmem>>
    %dma_wait3A_33 = arith.constant 0 : i32
    %dma_wait3A_34 = arith.constant 0 : i32
    %dma_wait3A_35 = tpu.memref_slice %arg2[%dma_wait3A_33, %dma_wait3A_34] : memref<8192x256xf32, #tpu.memory_space<hbm>> -> memref<8192x256xf32, #tpu.memory_space<hbm>>
    tpu.wait_indirect_dma semaphore(%arg9 : memref<!tpu.dma_semaphore, #tpu.memory_space<semaphore_mem>>) src(%dma_wait3A_35 : memref<8192x256xf32, #tpu.memory_space<hbm>>) dst(%arg7 : memref<96x256xf32, #tpu.memory_space<vmem>>)
    %add3A_36 = arith.constant 96 : i32
    %add3A_37 = arith.addi %mul3A_2, %add3A_36 : i32
    %dma_start3A_38 = arith.constant 0 : i32
    %dma_start3A_39 = tpu.memref_slice %arg4[%add3A_37, %dma_start3A_38] : memref<18432x256xf32, #tpu.memory_space<hbm>> -> memref<96x256xf32, #tpu.memory_space<hbm>>
    %dma_start3A_40 = arith.constant 0 : i32
    %dma_start3A_41 = tpu.memref_slice %arg4[%add3A_37, %dma_start3A_40] : memref<18432x256xf32, #tpu.memory_space<hbm>> -> memref<96x256xf32, #tpu.memory_space<hbm>>
    tpu.enqueue_dma source(%arg7 : memref<96x256xf32, #tpu.memory_space<vmem>>) target(%dma_start3A_41 : memref<96x256xf32, #tpu.memory_space<hbm>>) target_semaphore(%arg11 : memref<!tpu.dma_semaphore, #tpu.memory_space<semaphore_mem>>)
    %dma_wait3A_42 = arith.constant 0 : i32
    %dma_wait3A_43 = tpu.memref_slice %arg4[%add3A_37, %dma_wait3A_42] : memref<18432x256xf32, #tpu.memory_space<hbm>> -> memref<96x256xf32, #tpu.memory_space<hbm>>
    %dma_wait3A_44 = arith.constant 0 : i32
    %dma_wait3A_45 = tpu.memref_slice %arg4[%add3A_37, %dma_wait3A_44] : memref<18432x256xf32, #tpu.memory_space<hbm>> -> memref<96x256xf32, #tpu.memory_space<hbm>>
    tpu.wait_dma2 semaphore(%arg11 : memref<!tpu.dma_semaphore, #tpu.memory_space<semaphore_mem>>) src(%arg7 : memref<96x256xf32, #tpu.memory_space<vmem>>) dst(%dma_wait3A_45 : memref<96x256xf32, #tpu.memory_space<hbm>>)
    %dma_start3A_46 = arith.constant 288 : i32
    %dma_start3A_47 = tpu.memref_slice %arg5[%dma_start3A_46] : memref<576xi32, #tpu.memory_space<vmem>> -> memref<96xi32, #tpu.memory_space<vmem>>
    %dma_start3A_48 = arith.constant 0 : i32
    %dma_start3A_49 = arith.constant 0 : i32
    %dma_start3A_50 = tpu.memref_slice %arg2[%dma_start3A_48, %dma_start3A_49] : memref<8192x256xf32, #tpu.memory_space<hbm>> -> memref<8192x256xf32, #tpu.memory_space<hbm>>
    tpu.enqueue_indirect_dma source(%dma_start3A_50 : memref<8192x256xf32, #tpu.memory_space<hbm>>) target(%arg7 : memref<96x256xf32, #tpu.memory_space<vmem>>) offsets(%dma_start3A_47 : memref<96xi32, #tpu.memory_space<vmem>>) semaphore(%arg9 : memref<!tpu.dma_semaphore, #tpu.memory_space<semaphore_mem>>)
    %dma_wait3A_51 = arith.constant 192 : i32
    %dma_wait3A_52 = tpu.memref_slice %arg5[%dma_wait3A_51] : memref<576xi32, #tpu.memory_space<vmem>> -> memref<96xi32, #tpu.memory_space<vmem>>
    %dma_wait3A_53 = arith.constant 0 : i32
    %dma_wait3A_54 = arith.constant 0 : i32
    %dma_wait3A_55 = tpu.memref_slice %arg2[%dma_wait3A_53, %dma_wait3A_54] : memref<8192x256xf32, #tpu.memory_space<hbm>> -> memref<8192x256xf32, #tpu.memory_space<hbm>>
    tpu.wait_indirect_dma semaphore(%arg8 : memref<!tpu.dma_semaphore, #tpu.memory_space<semaphore_mem>>) src(%dma_wait3A_55 : memref<8192x256xf32, #tpu.memory_space<hbm>>) dst(%arg6 : memref<96x256xf32, #tpu.memory_space<vmem>>)
    %add3A_56 = arith.constant 192 : i32
    %add3A_57 = arith.addi %mul3A_2, %add3A_56 : i32
    %dma_start3A_58 = arith.constant 0 : i32
    %dma_start3A_59 = tpu.memref_slice %arg4[%add3A_57, %dma_start3A_58] : memref<18432x256xf32, #tpu.memory_space<hbm>> -> memref<96x256xf32, #tpu.memory_space<hbm>>
    %dma_start3A_60 = arith.constant 0 : i32
    %dma_start3A_61 = tpu.memref_slice %arg4[%add3A_57, %dma_start3A_60] : memref<18432x256xf32, #tpu.memory_space<hbm>> -> memref<96x256xf32, #tpu.memory_space<hbm>>
    tpu.enqueue_dma source(%arg6 : memref<96x256xf32, #tpu.memory_space<vmem>>) target(%dma_start3A_61 : memref<96x256xf32, #tpu.memory_space<hbm>>) target_semaphore(%arg10 : memref<!tpu.dma_semaphore, #tpu.memory_space<semaphore_mem>>)
    %dma_wait3A_62 = arith.constant 0 : i32
    %dma_wait3A_63 = tpu.memref_slice %arg4[%add3A_57, %dma_wait3A_62] : memref<18432x256xf32, #tpu.memory_space<hbm>> -> memref<96x256xf32, #tpu.memory_space<hbm>>
    %dma_wait3A_64 = arith.constant 0 : i32
    %dma_wait3A_65 = tpu.memref_slice %arg4[%add3A_57, %dma_wait3A_64] : memref<18432x256xf32, #tpu.memory_space<hbm>> -> memref<96x256xf32, #tpu.memory_space<hbm>>
    tpu.wait_dma2 semaphore(%arg10 : memref<!tpu.dma_semaphore, #tpu.memory_space<semaphore_mem>>) src(%arg6 : memref<96x256xf32, #tpu.memory_space<vmem>>) dst(%dma_wait3A_65 : memref<96x256xf32, #tpu.memory_space<hbm>>)
    %dma_start3A_66 = arith.constant 384 : i32
    %dma_start3A_67 = tpu.memref_slice %arg5[%dma_start3A_66] : memref<576xi32, #tpu.memory_space<vmem>> -> memref<96xi32, #tpu.memory_space<vmem>>
    %dma_start3A_68 = arith.constant 0 : i32
    %dma_start3A_69 = arith.constant 0 : i32
    %dma_start3A_70 = tpu.memref_slice %arg2[%dma_start3A_68, %dma_start3A_69] : memref<8192x256xf32, #tpu.memory_space<hbm>> -> memref<8192x256xf32, #tpu.memory_space<hbm>>
    tpu.enqueue_indirect_dma source(%dma_start3A_70 : memref<8192x256xf32, #tpu.memory_space<hbm>>) target(%arg6 : memref<96x256xf32, #tpu.memory_space<vmem>>) offsets(%dma_start3A_67 : memref<96xi32, #tpu.memory_space<vmem>>) semaphore(%arg8 : memref<!tpu.dma_semaphore, #tpu.memory_space<semaphore_mem>>)
    %dma_wait3A_71 = arith.constant 288 : i32
    %dma_wait3A_72 = tpu.memref_slice %arg5[%dma_wait3A_71] : memref<576xi32, #tpu.memory_space<vmem>> -> memref<96xi32, #tpu.memory_space<vmem>>
    %dma_wait3A_73 = arith.constant 0 : i32
    %dma_wait3A_74 = arith.constant 0 : i32
    %dma_wait3A_75 = tpu.memref_slice %arg2[%dma_wait3A_73, %dma_wait3A_74] : memref<8192x256xf32, #tpu.memory_space<hbm>> -> memref<8192x256xf32, #tpu.memory_space<hbm>>
    tpu.wait_indirect_dma semaphore(%arg9 : memref<!tpu.dma_semaphore, #tpu.memory_space<semaphore_mem>>) src(%dma_wait3A_75 : memref<8192x256xf32, #tpu.memory_space<hbm>>) dst(%arg7 : memref<96x256xf32, #tpu.memory_space<vmem>>)
    %add3A_76 = arith.constant 288 : i32
    %add3A_77 = arith.addi %mul3A_2, %add3A_76 : i32
    %dma_start3A_78 = arith.constant 0 : i32
    %dma_start3A_79 = tpu.memref_slice %arg4[%add3A_77, %dma_start3A_78] : memref<18432x256xf32, #tpu.memory_space<hbm>> -> memref<96x256xf32, #tpu.memory_space<hbm>>
    %dma_start3A_80 = arith.constant 0 : i32
    %dma_start3A_81 = tpu.memref_slice %arg4[%add3A_77, %dma_start3A_80] : memref<18432x256xf32, #tpu.memory_space<hbm>> -> memref<96x256xf32, #tpu.memory_space<hbm>>
    tpu.enqueue_dma source(%arg7 : memref<96x256xf32, #tpu.memory_space<vmem>>) target(%dma_start3A_81 : memref<96x256xf32, #tpu.memory_space<hbm>>) target_semaphore(%arg11 : memref<!tpu.dma_semaphore, #tpu.memory_space<semaphore_mem>>)
    %dma_wait3A_82 = arith.constant 0 : i32
    %dma_wait3A_83 = tpu.memref_slice %arg4[%add3A_77, %dma_wait3A_82] : memref<18432x256xf32, #tpu.memory_space<hbm>> -> memref<96x256xf32, #tpu.memory_space<hbm>>
    %dma_wait3A_84 = arith.constant 0 : i32
    %dma_wait3A_85 = tpu.memref_slice %arg4[%add3A_77, %dma_wait3A_84] : memref<18432x256xf32, #tpu.memory_space<hbm>> -> memref<96x256xf32, #tpu.memory_space<hbm>>
    tpu.wait_dma2 semaphore(%arg11 : memref<!tpu.dma_semaphore, #tpu.memory_space<semaphore_mem>>) src(%arg7 : memref<96x256xf32, #tpu.memory_space<vmem>>) dst(%dma_wait3A_85 : memref<96x256xf32, #tpu.memory_space<hbm>>)
    %dma_start3A_86 = arith.constant 480 : i32
    %dma_start3A_87 = tpu.memref_slice %arg5[%dma_start3A_86] : memref<576xi32, #tpu.memory_space<vmem>> -> memref<96xi32, #tpu.memory_space<vmem>>
    %dma_start3A_88 = arith.constant 0 : i32
    %dma_start3A_89 = arith.constant 0 : i32
    %dma_start3A_90 = tpu.memref_slice %arg2[%dma_start3A_88, %dma_start3A_89] : memref<8192x256xf32, #tpu.memory_space<hbm>> -> memref<8192x256xf32, #tpu.memory_space<hbm>>
    tpu.enqueue_indirect_dma source(%dma_start3A_90 : memref<8192x256xf32, #tpu.memory_space<hbm>>) target(%arg7 : memref<96x256xf32, #tpu.memory_space<vmem>>) offsets(%dma_start3A_87 : memref<96xi32, #tpu.memory_space<vmem>>) semaphore(%arg9 : memref<!tpu.dma_semaphore, #tpu.memory_space<semaphore_mem>>)
    %dma_wait3A_91 = arith.constant 384 : i32
    %dma_wait3A_92 = tpu.memref_slice %arg5[%dma_wait3A_91] : memref<576xi32, #tpu.memory_space<vmem>> -> memref<96xi32, #tpu.memory_space<vmem>>
    %dma_wait3A_93 = arith.constant 0 : i32
    %dma_wait3A_94 = arith.constant 0 : i32
    %dma_wait3A_95 = tpu.memref_slice %arg2[%dma_wait3A_93, %dma_wait3A_94] : memref<8192x256xf32, #tpu.memory_space<hbm>> -> memref<8192x256xf32, #tpu.memory_space<hbm>>
    tpu.wait_indirect_dma semaphore(%arg8 : memref<!tpu.dma_semaphore, #tpu.memory_space<semaphore_mem>>) src(%dma_wait3A_95 : memref<8192x256xf32, #tpu.memory_space<hbm>>) dst(%arg6 : memref<96x256xf32, #tpu.memory_space<vmem>>)
    %add3A_96 = arith.constant 384 : i32
    %add3A_97 = arith.addi %mul3A_2, %add3A_96 : i32
    %dma_start3A_98 = arith.constant 0 : i32
    %dma_start3A_99 = tpu.memref_slice %arg4[%add3A_97, %dma_start3A_98] : memref<18432x256xf32, #tpu.memory_space<hbm>> -> memref<96x256xf32, #tpu.memory_space<hbm>>
    %dma_start3A_100 = arith.constant 0 : i32
    %dma_start3A_101 = tpu.memref_slice %arg4[%add3A_97, %dma_start3A_100] : memref<18432x256xf32, #tpu.memory_space<hbm>> -> memref<96x256xf32, #tpu.memory_space<hbm>>
    tpu.enqueue_dma source(%arg6 : memref<96x256xf32, #tpu.memory_space<vmem>>) target(%dma_start3A_101 : memref<96x256xf32, #tpu.memory_space<hbm>>) target_semaphore(%arg10 : memref<!tpu.dma_semaphore, #tpu.memory_space<semaphore_mem>>)
    %dma_wait3A_102 = arith.constant 480 : i32
    %dma_wait3A_103 = tpu.memref_slice %arg5[%dma_wait3A_102] : memref<576xi32, #tpu.memory_space<vmem>> -> memref<96xi32, #tpu.memory_space<vmem>>
    %dma_wait3A_104 = arith.constant 0 : i32
    %dma_wait3A_105 = arith.constant 0 : i32
    %dma_wait3A_106 = tpu.memref_slice %arg2[%dma_wait3A_104, %dma_wait3A_105] : memref<8192x256xf32, #tpu.memory_space<hbm>> -> memref<8192x256xf32, #tpu.memory_space<hbm>>
    tpu.wait_indirect_dma semaphore(%arg9 : memref<!tpu.dma_semaphore, #tpu.memory_space<semaphore_mem>>) src(%dma_wait3A_106 : memref<8192x256xf32, #tpu.memory_space<hbm>>) dst(%arg7 : memref<96x256xf32, #tpu.memory_space<vmem>>)
    %add3A_107 = arith.constant 480 : i32
    %add3A_108 = arith.addi %mul3A_2, %add3A_107 : i32
    %dma_start3A_109 = arith.constant 0 : i32
    %dma_start3A_110 = tpu.memref_slice %arg4[%add3A_108, %dma_start3A_109] : memref<18432x256xf32, #tpu.memory_space<hbm>> -> memref<96x256xf32, #tpu.memory_space<hbm>>
    %dma_start3A_111 = arith.constant 0 : i32
    %dma_start3A_112 = tpu.memref_slice %arg4[%add3A_108, %dma_start3A_111] : memref<18432x256xf32, #tpu.memory_space<hbm>> -> memref<96x256xf32, #tpu.memory_space<hbm>>
    tpu.enqueue_dma source(%arg7 : memref<96x256xf32, #tpu.memory_space<vmem>>) target(%dma_start3A_112 : memref<96x256xf32, #tpu.memory_space<hbm>>) target_semaphore(%arg11 : memref<!tpu.dma_semaphore, #tpu.memory_space<semaphore_mem>>)
    %dma_wait3A_113 = arith.constant 0 : i32
    %dma_wait3A_114 = tpu.memref_slice %arg4[%add3A_97, %dma_wait3A_113] : memref<18432x256xf32, #tpu.memory_space<hbm>> -> memref<96x256xf32, #tpu.memory_space<hbm>>
    %dma_wait3A_115 = arith.constant 0 : i32
    %dma_wait3A_116 = tpu.memref_slice %arg4[%add3A_97, %dma_wait3A_115] : memref<18432x256xf32, #tpu.memory_space<hbm>> -> memref<96x256xf32, #tpu.memory_space<hbm>>
    tpu.wait_dma2 semaphore(%arg10 : memref<!tpu.dma_semaphore, #tpu.memory_space<semaphore_mem>>) src(%arg6 : memref<96x256xf32, #tpu.memory_space<vmem>>) dst(%dma_wait3A_116 : memref<96x256xf32, #tpu.memory_space<hbm>>)
    %dma_wait3A_117 = arith.constant 0 : i32
    %dma_wait3A_118 = tpu.memref_slice %arg4[%add3A_108, %dma_wait3A_117] : memref<18432x256xf32, #tpu.memory_space<hbm>> -> memref<96x256xf32, #tpu.memory_space<hbm>>
    %dma_wait3A_119 = arith.constant 0 : i32
    %dma_wait3A_120 = tpu.memref_slice %arg4[%add3A_108, %dma_wait3A_119] : memref<18432x256xf32, #tpu.memory_space<hbm>> -> memref<96x256xf32, #tpu.memory_space<hbm>>
    tpu.wait_dma2 semaphore(%arg11 : memref<!tpu.dma_semaphore, #tpu.memory_space<semaphore_mem>>) src(%arg7 : memref<96x256xf32, #tpu.memory_space<vmem>>) dst(%dma_wait3A_120 : memref<96x256xf32, #tpu.memory_space<hbm>>)
    return
  }
}

module attributes {stable_mosaic.version = 14 : i64} {
  func.func @_argmin_body(%arg0: i32, %arg1: memref<2048x256xbf16, #tpu.memory_space<vmem>>, %arg2: memref<2048x1xf32, #tpu.memory_space<vmem>>, %arg3: memref<8192x256xbf16, #tpu.memory_space<vmem>>, %arg4: memref<1x8192xf32, #tpu.memory_space<vmem>>, %arg5: memref<2048x1xi32, #tpu.memory_space<vmem>>, %arg6: memref<1x1xf32, #tpu.memory_space<smem>>, %arg7: memref<1x1xf32, #tpu.memory_space<smem>>, %arg8: memref<2x2048x256xf32, #tpu.memory_space<vmem>>, %arg9: memref<2x2048x256xi32, #tpu.memory_space<vmem>>) attributes {dimension_semantics = [#tpu.dimension_semantics<arbitrary>], iteration_bounds = array<i64: 10>, scalar_prefetch = 0 : i64, scratch_operands = 3 : i64, tpu.core_type = #tpu.core_type<tc>, window_params = [{transform_indices = @transform_0, window_bounds = array<i64: 2048, 256>}, {transform_indices = @transform_1, window_bounds = array<i64: 2048, 1>}, {pipeline_mode = #tpu.pipeline_mode<synchronous>, transform_indices = @transform_2, window_bounds = array<i64: 8192, 256>}, {pipeline_mode = #tpu.pipeline_mode<synchronous>, transform_indices = @transform_3, window_bounds = array<i64: 1, 8192>}, {transform_indices = @transform_4, window_bounds = array<i64: 2048, 1>}, {transform_indices = @transform_5, window_bounds = array<i64: 1, 1>}]} {
    %gt3A = arith.constant 0 : i32
    %gt3A_0 = arith.cmpi sgt, %arg0, %gt3A : i32
    %convert_element_type3A = arith.extui %gt3A_0 : i1 to i32
    %cond3A = arith.constant 0 : i32
    %cond3A_1 = arith.cmpi ne, %convert_element_type3A, %cond3A : i32
    scf.if %cond3A_1 {
      %sub3A = arith.constant 1 : i32
      %sub3A_6 = arith.subi %arg0, %sub3A : i32
      %rem3A = arith.constant 2 : i32
      %rem3A_7 = arith.remsi %sub3A_6, %rem3A : i32
      %get3A = arith.index_cast %rem3A_7 : i32 to index
      %get3A_8 = arith.constant 0 : index
      %get3A_9 = arith.constant 0 : index
      %get3A_10 = vector.load %arg8[%get3A, %get3A_8, %get3A_9] : memref<2x2048x256xf32, #tpu.memory_space<vmem>>, vector<1x2048x256xf32>
      %get3A_11 = vector.shape_cast %get3A_10 : vector<1x2048x256xf32> to vector<2048x256xf32>
      %get3A_12 = arith.index_cast %rem3A_7 : i32 to index
      %get3A_13 = arith.constant 0 : index
      %get3A_14 = arith.constant 0 : index
      %get3A_15 = vector.load %arg9[%get3A_12, %get3A_13, %get3A_14] : memref<2x2048x256xi32, #tpu.memory_space<vmem>>, vector<1x2048x256xi32>
      %get3A_16 = vector.shape_cast %get3A_15 : vector<1x2048x256xi32> to vector<2048x256xi32>
      %reduce_min3A = arith.constant dense<0x7F800000> : vector<2048xf32>
      %reduce_min3A_17 = vector.multi_reduction <minimumf>, %get3A_11, %reduce_min3A [1] : vector<2048x256xf32> to vector<2048xf32>
      %broadcast_in_dim3A = vector.shape_cast %reduce_min3A_17 : vector<2048xf32> to vector<2048x1xf32>
      %iota3A = tpu.iota {dimensions = array<i32: 1>} : vector<2048x256xi32>
      %mul3A = arith.constant 256 : i32
      %mul3A_18 = vector.broadcast %mul3A : i32 to vector<2048x256xi32>
      %mul3A_19 = arith.muli %get3A_16, %mul3A_18 : vector<2048x256xi32>
      %add3A = arith.addi %mul3A_19, %iota3A : vector<2048x256xi32>
      %eq3A = vector.broadcast %broadcast_in_dim3A : vector<2048x1xf32> to vector<2048x256xf32>
      %eq3A_20 = arith.cmpf oeq, %get3A_11, %eq3A : vector<2048x256xf32>
      %jit3A = arith.constant 8192 : i32
      %broadcast_in_dim3A_21 = vector.broadcast %jit3A : i32 to vector<2048x256xi32>
      %select_n3A = arith.select %eq3A_20, %add3A, %broadcast_in_dim3A_21 : vector<2048x256xi1>, vector<2048x256xi32>
      %reduce_min3A_22 = arith.constant dense<2147483647> : vector<2048xi32>
      %reduce_min3A_23 = vector.multi_reduction <minsi>, %select_n3A, %reduce_min3A_22 [1] : vector<2048x256xi32> to vector<2048xi32>
      %broadcast_in_dim3A_24 = vector.shape_cast %reduce_min3A_23 : vector<2048xi32> to vector<2048x1xi32>
      %swap3A = arith.constant 0 : index
      %swap3A_25 = arith.constant 0 : index
      %swap3A_26 = vector.load %arg5[%swap3A, %swap3A_25] : memref<2048x1xi32, #tpu.memory_space<vmem>>, vector<2048x1xi32>
      tpu.vector_store %arg5[%swap3A, %swap3A_25], %broadcast_in_dim3A_24 {strides = array<i32>} : memref<2048x1xi32, #tpu.memory_space<vmem>>, vector<2048x1xi32>,
      %eq3A_27 = arith.constant 1 : i32
      %eq3A_28 = arith.cmpi eq, %arg0, %eq3A_27 : i32
      %get3A_29 = arith.constant 0 : index
      %get3A_30 = arith.constant 0 : index
      %get3A_31 = memref.load %arg7[%get3A_29, %get3A_30] : memref<1x1xf32, #tpu.memory_space<smem>>
      %jit3A_32 = arith.constant 0.000000e+00 : f32
      %select_n3A_33 = arith.select %eq3A_28, %jit3A_32, %get3A_31 : f32
      %reduce_sum3A = vector.shape_cast %broadcast_in_dim3A : vector<2048x1xf32> to vector<1x2048x1xf32>
      %reduce_sum3A_34 = arith.constant dense<0.000000e+00> : vector<1xf32>
      %reduce_sum3A_35 = vector.multi_reduction <add>, %reduce_sum3A, %reduce_sum3A_34 [1, 2] : vector<1x2048x1xf32> to vector<1xf32>
      %reduce_sum3A_36 = vector.shape_cast %reduce_sum3A_35 : vector<1xf32> to vector<1x1x1xf32>
      %reduce_sum3A_37 = vector.extract %reduce_sum3A_36[0, 0, 0] : f32 from vector<1x1x1xf32>
      %add3A_38 = arith.addf %select_n3A_33, %reduce_sum3A_37 : f32
      %swap3A_39 = arith.constant 0 : index
      %swap3A_40 = arith.constant 0 : index
      %swap3A_41 = memref.load %arg7[%swap3A_39, %swap3A_40] : memref<1x1xf32, #tpu.memory_space<smem>>
      memref.store %add3A_38, %arg7[%swap3A_39, %swap3A_40] : memref<1x1xf32, #tpu.memory_space<smem>>
      %eq3A_42 = arith.constant 9 : i32
      %eq3A_43 = arith.cmpi eq, %arg0, %eq3A_42 : i32
      %convert_element_type3A_44 = arith.extui %eq3A_43 : i1 to i32
      %cond3A_45 = arith.constant 0 : i32
      %cond3A_46 = arith.cmpi ne, %convert_element_type3A_44, %cond3A_45 : i32
      scf.if %cond3A_46 {
        %get3A_47 = arith.constant 0 : index
        %get3A_48 = arith.constant 0 : index
        %get3A_49 = memref.load %arg7[%get3A_47, %get3A_48] : memref<1x1xf32, #tpu.memory_space<smem>>
        %swap3A_50 = arith.constant 0 : index
        %swap3A_51 = arith.constant 0 : index
        %swap3A_52 = memref.load %arg6[%swap3A_50, %swap3A_51] : memref<1x1xf32, #tpu.memory_space<smem>>
        memref.store %get3A_49, %arg6[%swap3A_50, %swap3A_51] : memref<1x1xf32, #tpu.memory_space<smem>>
      } else {
      }
    } else {
    }
    %lt3A = arith.constant 9 : i32
    %lt3A_2 = arith.cmpi slt, %arg0, %lt3A : i32
    %convert_element_type3A_3 = arith.extui %lt3A_2 : i1 to i32
    %cond3A_4 = arith.constant 0 : i32
    %cond3A_5 = arith.cmpi ne, %convert_element_type3A_3, %cond3A_4 : i32
    scf.if %cond3A_5 {
      %get3A = arith.constant 0 : index
      %get3A_6 = arith.constant 0 : index
      %get3A_7 = vector.load %arg1[%get3A, %get3A_6] : memref<2048x256xbf16, #tpu.memory_space<vmem>>, vector<2048x256xbf16>
      %get3A_8 = arith.constant 0 : index
      %get3A_9 = arith.constant 0 : index
      %get3A_10 = vector.load %arg2[%get3A_8, %get3A_9] : memref<2048x1xf32, #tpu.memory_space<vmem>>, vector<2048x1xf32>
      %get3A_11 = arith.constant 0 : index
      %get3A_12 = arith.constant 0 : index
      %get3A_13 = vector.load %arg3[%get3A_11, %get3A_12] : memref<8192x256xbf16, #tpu.memory_space<vmem>>, vector<256x256xbf16>
      %get3A_14 = arith.constant 0 : index
      %get3A_15 = arith.constant 0 : index
      %get3A_16 = vector.load %arg4[%get3A_14, %get3A_15] : memref<1x8192xf32, #tpu.memory_space<vmem>>, vector<1x256xf32>
      %dot_general3A = arith.constant dense<0.000000e+00> : vector<2048x256xf32>
      %dot_general3A_17 = tpu.matmul %get3A_7, %get3A_13, %dot_general3A {dimension_numbers = #tpu.dot_dimension_numbers<[1], [1], [0], [0], [0, 0, 1, 0], [], []>, transpose_lhs_hint = false} : vector<2048x256xbf16>, vector<256x256xbf16>, vector<2048x256xf32> -> vector<2048x256xf32>
      %add3A = vector.broadcast %get3A_10 : vector<2048x1xf32> to vector<2048x256xf32>
      %add3A_18 = vector.broadcast %get3A_16 : vector<1x256xf32> to vector<2048x256xf32>
      %add3A_19 = arith.addf %add3A, %add3A_18 : vector<2048x256xf32>
      %sub3A = arith.subf %add3A_19, %dot_general3A_17 : vector<2048x256xf32>
      %get3A_20 = arith.constant 256 : index
      %get3A_21 = arith.constant 0 : index
      %get3A_22 = vector.load %arg3[%get3A_20, %get3A_21] : memref<8192x256xbf16, #tpu.memory_space<vmem>>, vector<256x256xbf16>
      %get3A_23 = arith.constant 0 : index
      %get3A_24 = arith.constant 256 : index
      %get3A_25 = vector.load %arg4[%get3A_23, %get3A_24] : memref<1x8192xf32, #tpu.memory_space<vmem>>, vector<1x256xf32>
      %dot_general3A_26 = arith.constant dense<0.000000e+00> : vector<2048x256xf32>
      %dot_general3A_27 = tpu.matmul %get3A_7, %get3A_22, %dot_general3A_26 {dimension_numbers = #tpu.dot_dimension_numbers<[1], [1], [0], [0], [0, 0, 1, 0], [], []>, transpose_lhs_hint = false} : vector<2048x256xbf16>, vector<256x256xbf16>, vector<2048x256xf32> -> vector<2048x256xf32>
      %add3A_28 = vector.broadcast %get3A_10 : vector<2048x1xf32> to vector<2048x256xf32>
      %add3A_29 = vector.broadcast %get3A_25 : vector<1x256xf32> to vector<2048x256xf32>
      %add3A_30 = arith.addf %add3A_28, %add3A_29 : vector<2048x256xf32>
      %sub3A_31 = arith.subf %add3A_30, %dot_general3A_27 : vector<2048x256xf32>
      %min3A = arith.minimumf %sub3A, %sub3A_31 : vector<2048x256xf32>
      %lt3A_32 = arith.cmpf olt, %sub3A_31, %sub3A : vector<2048x256xf32>
      %jit3A = arith.constant 1 : i32
      %jit3A_33 = arith.constant 0 : i32
      %broadcast_in_dim3A = vector.broadcast %jit3A : i32 to vector<2048x256xi32>
      %broadcast_in_dim3A_34 = vector.broadcast %jit3A_33 : i32 to vector<2048x256xi32>
      %select_n3A = arith.select %lt3A_32, %broadcast_in_dim3A, %broadcast_in_dim3A_34 : vector<2048x256xi1>, vector<2048x256xi32>
      %get3A_35 = arith.constant 512 : index
      %get3A_36 = arith.constant 0 : index
      %get3A_37 = vector.load %arg3[%get3A_35, %get3A_36] : memref<8192x256xbf16, #tpu.memory_space<vmem>>, vector<256x256xbf16>
      %get3A_38 = arith.constant 0 : index
      %get3A_39 = arith.constant 512 : index
      %get3A_40 = vector.load %arg4[%get3A_38, %get3A_39] : memref<1x8192xf32, #tpu.memory_space<vmem>>, vector<1x256xf32>
      %dot_general3A_41 = arith.constant dense<0.000000e+00> : vector<2048x256xf32>
      %dot_general3A_42 = tpu.matmul %get3A_7, %get3A_37, %dot_general3A_41 {dimension_numbers = #tpu.dot_dimension_numbers<[1], [1], [0], [0], [0, 0, 1, 0], [], []>, transpose_lhs_hint = false} : vector<2048x256xbf16>, vector<256x256xbf16>, vector<2048x256xf32> -> vector<2048x256xf32>
      %add3A_43 = vector.broadcast %get3A_10 : vector<2048x1xf32> to vector<2048x256xf32>
      %add3A_44 = vector.broadcast %get3A_40 : vector<1x256xf32> to vector<2048x256xf32>
      %add3A_45 = arith.addf %add3A_43, %add3A_44 : vector<2048x256xf32>
      %sub3A_46 = arith.subf %add3A_45, %dot_general3A_42 : vector<2048x256xf32>
      %get3A_47 = arith.constant 768 : index
      %get3A_48 = arith.constant 0 : index
      %get3A_49 = vector.load %arg3[%get3A_47, %get3A_48] : memref<8192x256xbf16, #tpu.memory_space<vmem>>, vector<256x256xbf16>
      %get3A_50 = arith.constant 0 : index
      %get3A_51 = arith.constant 768 : index
      %get3A_52 = vector.load %arg4[%get3A_50, %get3A_51] : memref<1x8192xf32, #tpu.memory_space<vmem>>, vector<1x256xf32>
      %dot_general3A_53 = arith.constant dense<0.000000e+00> : vector<2048x256xf32>
      %dot_general3A_54 = tpu.matmul %get3A_7, %get3A_49, %dot_general3A_53 {dimension_numbers = #tpu.dot_dimension_numbers<[1], [1], [0], [0], [0, 0, 1, 0], [], []>, transpose_lhs_hint = false} : vector<2048x256xbf16>, vector<256x256xbf16>, vector<2048x256xf32> -> vector<2048x256xf32>
      %add3A_55 = vector.broadcast %get3A_10 : vector<2048x1xf32> to vector<2048x256xf32>
      %add3A_56 = vector.broadcast %get3A_52 : vector<1x256xf32> to vector<2048x256xf32>
      %add3A_57 = arith.addf %add3A_55, %add3A_56 : vector<2048x256xf32>
      %sub3A_58 = arith.subf %add3A_57, %dot_general3A_54 : vector<2048x256xf32>
      %min3A_59 = arith.minimumf %sub3A_46, %sub3A_58 : vector<2048x256xf32>
      %lt3A_60 = arith.cmpf olt, %sub3A_58, %sub3A_46 : vector<2048x256xf32>
      %jit3A_61 = arith.constant 3 : i32
      %jit3A_62 = arith.constant 2 : i32
      %broadcast_in_dim3A_63 = vector.broadcast %jit3A_61 : i32 to vector<2048x256xi32>
      %broadcast_in_dim3A_64 = vector.broadcast %jit3A_62 : i32 to vector<2048x256xi32>
      %select_n3A_65 = arith.select %lt3A_60, %broadcast_in_dim3A_63, %broadcast_in_dim3A_64 : vector<2048x256xi1>, vector<2048x256xi32>
      %lt3A_66 = arith.cmpf olt, %min3A_59, %min3A : vector<2048x256xf32>
      %min3A_67 = arith.minimumf %min3A_59, %min3A : vector<2048x256xf32>
      %select_n3A_68 = arith.select %lt3A_66, %select_n3A_65, %select_n3A : vector<2048x256xi1>, vector<2048x256xi32>
      %get3A_69 = arith.constant 1024 : index
      %get3A_70 = arith.constant 0 : index
      %get3A_71 = vector.load %arg3[%get3A_69, %get3A_70] : memref<8192x256xbf16, #tpu.memory_space<vmem>>, vector<256x256xbf16>
      %get3A_72 = arith.constant 0 : index
      %get3A_73 = arith.constant 1024 : index
      %get3A_74 = vector.load %arg4[%get3A_72, %get3A_73] : memref<1x8192xf32, #tpu.memory_space<vmem>>, vector<1x256xf32>
      %dot_general3A_75 = arith.constant dense<0.000000e+00> : vector<2048x256xf32>
      %dot_general3A_76 = tpu.matmul %get3A_7, %get3A_71, %dot_general3A_75 {dimension_numbers = #tpu.dot_dimension_numbers<[1], [1], [0], [0], [0, 0, 1, 0], [], []>, transpose_lhs_hint = false} : vector<2048x256xbf16>, vector<256x256xbf16>, vector<2048x256xf32> -> vector<2048x256xf32>
      %add3A_77 = vector.broadcast %get3A_10 : vector<2048x1xf32> to vector<2048x256xf32>
      %add3A_78 = vector.broadcast %get3A_74 : vector<1x256xf32> to vector<2048x256xf32>
      %add3A_79 = arith.addf %add3A_77, %add3A_78 : vector<2048x256xf32>
      %sub3A_80 = arith.subf %add3A_79, %dot_general3A_76 : vector<2048x256xf32>
      %get3A_81 = arith.constant 1280 : index
      %get3A_82 = arith.constant 0 : index
      %get3A_83 = vector.load %arg3[%get3A_81, %get3A_82] : memref<8192x256xbf16, #tpu.memory_space<vmem>>, vector<256x256xbf16>
      %get3A_84 = arith.constant 0 : index
      %get3A_85 = arith.constant 1280 : index
      %get3A_86 = vector.load %arg4[%get3A_84, %get3A_85] : memref<1x8192xf32, #tpu.memory_space<vmem>>, vector<1x256xf32>
      %dot_general3A_87 = arith.constant dense<0.000000e+00> : vector<2048x256xf32>
      %dot_general3A_88 = tpu.matmul %get3A_7, %get3A_83, %dot_general3A_87 {dimension_numbers = #tpu.dot_dimension_numbers<[1], [1], [0], [0], [0, 0, 1, 0], [], []>, transpose_lhs_hint = false} : vector<2048x256xbf16>, vector<256x256xbf16>, vector<2048x256xf32> -> vector<2048x256xf32>
      %add3A_89 = vector.broadcast %get3A_10 : vector<2048x1xf32> to vector<2048x256xf32>
      %add3A_90 = vector.broadcast %get3A_86 : vector<1x256xf32> to vector<2048x256xf32>
      %add3A_91 = arith.addf %add3A_89, %add3A_90 : vector<2048x256xf32>
      %sub3A_92 = arith.subf %add3A_91, %dot_general3A_88 : vector<2048x256xf32>
      %min3A_93 = arith.minimumf %sub3A_80, %sub3A_92 : vector<2048x256xf32>
      %lt3A_94 = arith.cmpf olt, %sub3A_92, %sub3A_80 : vector<2048x256xf32>
      %jit3A_95 = arith.constant 5 : i32
      %jit3A_96 = arith.constant 4 : i32
      %broadcast_in_dim3A_97 = vector.broadcast %jit3A_95 : i32 to vector<2048x256xi32>
      %broadcast_in_dim3A_98 = vector.broadcast %jit3A_96 : i32 to vector<2048x256xi32>
      %select_n3A_99 = arith.select %lt3A_94, %broadcast_in_dim3A_97, %broadcast_in_dim3A_98 : vector<2048x256xi1>, vector<2048x256xi32>
      %lt3A_100 = arith.cmpf olt, %min3A_93, %min3A_67 : vector<2048x256xf32>
      %min3A_101 = arith.minimumf %min3A_93, %min3A_67 : vector<2048x256xf32>
      %select_n3A_102 = arith.select %lt3A_100, %select_n3A_99, %select_n3A_68 : vector<2048x256xi1>, vector<2048x256xi32>
      %get3A_103 = arith.constant 1536 : index
      %get3A_104 = arith.constant 0 : index
      %get3A_105 = vector.load %arg3[%get3A_103, %get3A_104] : memref<8192x256xbf16, #tpu.memory_space<vmem>>, vector<256x256xbf16>
      %get3A_106 = arith.constant 0 : index
      %get3A_107 = arith.constant 1536 : index
      %get3A_108 = vector.load %arg4[%get3A_106, %get3A_107] : memref<1x8192xf32, #tpu.memory_space<vmem>>, vector<1x256xf32>
      %dot_general3A_109 = arith.constant dense<0.000000e+00> : vector<2048x256xf32>
      %dot_general3A_110 = tpu.matmul %get3A_7, %get3A_105, %dot_general3A_109 {dimension_numbers = #tpu.dot_dimension_numbers<[1], [1], [0], [0], [0, 0, 1, 0], [], []>, transpose_lhs_hint = false} : vector<2048x256xbf16>, vector<256x256xbf16>, vector<2048x256xf32> -> vector<2048x256xf32>
      %add3A_111 = vector.broadcast %get3A_10 : vector<2048x1xf32> to vector<2048x256xf32>
      %add3A_112 = vector.broadcast %get3A_108 : vector<1x256xf32> to vector<2048x256xf32>
      %add3A_113 = arith.addf %add3A_111, %add3A_112 : vector<2048x256xf32>
      %sub3A_114 = arith.subf %add3A_113, %dot_general3A_110 : vector<2048x256xf32>
      %get3A_115 = arith.constant 1792 : index
      %get3A_116 = arith.constant 0 : index
      %get3A_117 = vector.load %arg3[%get3A_115, %get3A_116] : memref<8192x256xbf16, #tpu.memory_space<vmem>>, vector<256x256xbf16>
      %get3A_118 = arith.constant 0 : index
      %get3A_119 = arith.constant 1792 : index
      %get3A_120 = vector.load %arg4[%get3A_118, %get3A_119] : memref<1x8192xf32, #tpu.memory_space<vmem>>, vector<1x256xf32>
      %dot_general3A_121 = arith.constant dense<0.000000e+00> : vector<2048x256xf32>
      %dot_general3A_122 = tpu.matmul %get3A_7, %get3A_117, %dot_general3A_121 {dimension_numbers = #tpu.dot_dimension_numbers<[1], [1], [0], [0], [0, 0, 1, 0], [], []>, transpose_lhs_hint = false} : vector<2048x256xbf16>, vector<256x256xbf16>, vector<2048x256xf32> -> vector<2048x256xf32>
      %add3A_123 = vector.broadcast %get3A_10 : vector<2048x1xf32> to vector<2048x256xf32>
      %add3A_124 = vector.broadcast %get3A_120 : vector<1x256xf32> to vector<2048x256xf32>
      %add3A_125 = arith.addf %add3A_123, %add3A_124 : vector<2048x256xf32>
      %sub3A_126 = arith.subf %add3A_125, %dot_general3A_122 : vector<2048x256xf32>
      %min3A_127 = arith.minimumf %sub3A_114, %sub3A_126 : vector<2048x256xf32>
      %lt3A_128 = arith.cmpf olt, %sub3A_126, %sub3A_114 : vector<2048x256xf32>
      %jit3A_129 = arith.constant 7 : i32
      %jit3A_130 = arith.constant 6 : i32
      %broadcast_in_dim3A_131 = vector.broadcast %jit3A_129 : i32 to vector<2048x256xi32>
      %broadcast_in_dim3A_132 = vector.broadcast %jit3A_130 : i32 to vector<2048x256xi32>
      %select_n3A_133 = arith.select %lt3A_128, %broadcast_in_dim3A_131, %broadcast_in_dim3A_132 : vector<2048x256xi1>, vector<2048x256xi32>
      %lt3A_134 = arith.cmpf olt, %min3A_127, %min3A_101 : vector<2048x256xf32>
      %min3A_135 = arith.minimumf %min3A_127, %min3A_101 : vector<2048x256xf32>
      %select_n3A_136 = arith.select %lt3A_134, %select_n3A_133, %select_n3A_102 : vector<2048x256xi1>, vector<2048x256xi32>
      %get3A_137 = arith.constant 2048 : index
      %get3A_138 = arith.constant 0 : index
      %get3A_139 = vector.load %arg3[%get3A_137, %get3A_138] : memref<8192x256xbf16, #tpu.memory_space<vmem>>, vector<256x256xbf16>
      %get3A_140 = arith.constant 0 : index
      %get3A_141 = arith.constant 2048 : index
      %get3A_142 = vector.load %arg4[%get3A_140, %get3A_141] : memref<1x8192xf32, #tpu.memory_space<vmem>>, vector<1x256xf32>
      %dot_general3A_143 = arith.constant dense<0.000000e+00> : vector<2048x256xf32>
      %dot_general3A_144 = tpu.matmul %get3A_7, %get3A_139, %dot_general3A_143 {dimension_numbers = #tpu.dot_dimension_numbers<[1], [1], [0], [0], [0, 0, 1, 0], [], []>, transpose_lhs_hint = false} : vector<2048x256xbf16>, vector<256x256xbf16>, vector<2048x256xf32> -> vector<2048x256xf32>
      %add3A_145 = vector.broadcast %get3A_10 : vector<2048x1xf32> to vector<2048x256xf32>
      %add3A_146 = vector.broadcast %get3A_142 : vector<1x256xf32> to vector<2048x256xf32>
      %add3A_147 = arith.addf %add3A_145, %add3A_146 : vector<2048x256xf32>
      %sub3A_148 = arith.subf %add3A_147, %dot_general3A_144 : vector<2048x256xf32>
      %get3A_149 = arith.constant 2304 : index
      %get3A_150 = arith.constant 0 : index
      %get3A_151 = vector.load %arg3[%get3A_149, %get3A_150] : memref<8192x256xbf16, #tpu.memory_space<vmem>>, vector<256x256xbf16>
      %get3A_152 = arith.constant 0 : index
      %get3A_153 = arith.constant 2304 : index
      %get3A_154 = vector.load %arg4[%get3A_152, %get3A_153] : memref<1x8192xf32, #tpu.memory_space<vmem>>, vector<1x256xf32>
      %dot_general3A_155 = arith.constant dense<0.000000e+00> : vector<2048x256xf32>
      %dot_general3A_156 = tpu.matmul %get3A_7, %get3A_151, %dot_general3A_155 {dimension_numbers = #tpu.dot_dimension_numbers<[1], [1], [0], [0], [0, 0, 1, 0], [], []>, transpose_lhs_hint = false} : vector<2048x256xbf16>, vector<256x256xbf16>, vector<2048x256xf32> -> vector<2048x256xf32>
      %add3A_157 = vector.broadcast %get3A_10 : vector<2048x1xf32> to vector<2048x256xf32>
      %add3A_158 = vector.broadcast %get3A_154 : vector<1x256xf32> to vector<2048x256xf32>
      %add3A_159 = arith.addf %add3A_157, %add3A_158 : vector<2048x256xf32>
      %sub3A_160 = arith.subf %add3A_159, %dot_general3A_156 : vector<2048x256xf32>
      %min3A_161 = arith.minimumf %sub3A_148, %sub3A_160 : vector<2048x256xf32>
      %lt3A_162 = arith.cmpf olt, %sub3A_160, %sub3A_148 : vector<2048x256xf32>
      %jit3A_163 = arith.constant 9 : i32
      %jit3A_164 = arith.constant 8 : i32
      %broadcast_in_dim3A_165 = vector.broadcast %jit3A_163 : i32 to vector<2048x256xi32>
      %broadcast_in_dim3A_166 = vector.broadcast %jit3A_164 : i32 to vector<2048x256xi32>
      %select_n3A_167 = arith.select %lt3A_162, %broadcast_in_dim3A_165, %broadcast_in_dim3A_166 : vector<2048x256xi1>, vector<2048x256xi32>
      %lt3A_168 = arith.cmpf olt, %min3A_161, %min3A_135 : vector<2048x256xf32>
      %min3A_169 = arith.minimumf %min3A_161, %min3A_135 : vector<2048x256xf32>
      %select_n3A_170 = arith.select %lt3A_168, %select_n3A_167, %select_n3A_136 : vector<2048x256xi1>, vector<2048x256xi32>
      %get3A_171 = arith.constant 2560 : index
      %get3A_172 = arith.constant 0 : index
      %get3A_173 = vector.load %arg3[%get3A_171, %get3A_172] : memref<8192x256xbf16, #tpu.memory_space<vmem>>, vector<256x256xbf16>
      %get3A_174 = arith.constant 0 : index
      %get3A_175 = arith.constant 2560 : index
      %get3A_176 = vector.load %arg4[%get3A_174, %get3A_175] : memref<1x8192xf32, #tpu.memory_space<vmem>>, vector<1x256xf32>
      %dot_general3A_177 = arith.constant dense<0.000000e+00> : vector<2048x256xf32>
      %dot_general3A_178 = tpu.matmul %get3A_7, %get3A_173, %dot_general3A_177 {dimension_numbers = #tpu.dot_dimension_numbers<[1], [1], [0], [0], [0, 0, 1, 0], [], []>, transpose_lhs_hint = false} : vector<2048x256xbf16>, vector<256x256xbf16>, vector<2048x256xf32> -> vector<2048x256xf32>
      %add3A_179 = vector.broadcast %get3A_10 : vector<2048x1xf32> to vector<2048x256xf32>
      %add3A_180 = vector.broadcast %get3A_176 : vector<1x256xf32> to vector<2048x256xf32>
      %add3A_181 = arith.addf %add3A_179, %add3A_180 : vector<2048x256xf32>
      %sub3A_182 = arith.subf %add3A_181, %dot_general3A_178 : vector<2048x256xf32>
      %get3A_183 = arith.constant 2816 : index
      %get3A_184 = arith.constant 0 : index
      %get3A_185 = vector.load %arg3[%get3A_183, %get3A_184] : memref<8192x256xbf16, #tpu.memory_space<vmem>>, vector<256x256xbf16>
      %get3A_186 = arith.constant 0 : index
      %get3A_187 = arith.constant 2816 : index
      %get3A_188 = vector.load %arg4[%get3A_186, %get3A_187] : memref<1x8192xf32, #tpu.memory_space<vmem>>, vector<1x256xf32>
      %dot_general3A_189 = arith.constant dense<0.000000e+00> : vector<2048x256xf32>
      %dot_general3A_190 = tpu.matmul %get3A_7, %get3A_185, %dot_general3A_189 {dimension_numbers = #tpu.dot_dimension_numbers<[1], [1], [0], [0], [0, 0, 1, 0], [], []>, transpose_lhs_hint = false} : vector<2048x256xbf16>, vector<256x256xbf16>, vector<2048x256xf32> -> vector<2048x256xf32>
      %add3A_191 = vector.broadcast %get3A_10 : vector<2048x1xf32> to vector<2048x256xf32>
      %add3A_192 = vector.broadcast %get3A_188 : vector<1x256xf32> to vector<2048x256xf32>
      %add3A_193 = arith.addf %add3A_191, %add3A_192 : vector<2048x256xf32>
      %sub3A_194 = arith.subf %add3A_193, %dot_general3A_190 : vector<2048x256xf32>
      %min3A_195 = arith.minimumf %sub3A_182, %sub3A_194 : vector<2048x256xf32>
      %lt3A_196 = arith.cmpf olt, %sub3A_194, %sub3A_182 : vector<2048x256xf32>
      %jit3A_197 = arith.constant 11 : i32
      %jit3A_198 = arith.constant 10 : i32
      %broadcast_in_dim3A_199 = vector.broadcast %jit3A_197 : i32 to vector<2048x256xi32>
      %broadcast_in_dim3A_200 = vector.broadcast %jit3A_198 : i32 to vector<2048x256xi32>
      %select_n3A_201 = arith.select %lt3A_196, %broadcast_in_dim3A_199, %broadcast_in_dim3A_200 : vector<2048x256xi1>, vector<2048x256xi32>
      %lt3A_202 = arith.cmpf olt, %min3A_195, %min3A_169 : vector<2048x256xf32>
      %min3A_203 = arith.minimumf %min3A_195, %min3A_169 : vector<2048x256xf32>
      %select_n3A_204 = arith.select %lt3A_202, %select_n3A_201, %select_n3A_170 : vector<2048x256xi1>, vector<2048x256xi32>
      %get3A_205 = arith.constant 3072 : index
      %get3A_206 = arith.constant 0 : index
      %get3A_207 = vector.load %arg3[%get3A_205, %get3A_206] : memref<8192x256xbf16, #tpu.memory_space<vmem>>, vector<256x256xbf16>
      %get3A_208 = arith.constant 0 : index
      %get3A_209 = arith.constant 3072 : index
      %get3A_210 = vector.load %arg4[%get3A_208, %get3A_209] : memref<1x8192xf32, #tpu.memory_space<vmem>>, vector<1x256xf32>
      %dot_general3A_211 = arith.constant dense<0.000000e+00> : vector<2048x256xf32>
      %dot_general3A_212 = tpu.matmul %get3A_7, %get3A_207, %dot_general3A_211 {dimension_numbers = #tpu.dot_dimension_numbers<[1], [1], [0], [0], [0, 0, 1, 0], [], []>, transpose_lhs_hint = false} : vector<2048x256xbf16>, vector<256x256xbf16>, vector<2048x256xf32> -> vector<2048x256xf32>
      %add3A_213 = vector.broadcast %get3A_10 : vector<2048x1xf32> to vector<2048x256xf32>
      %add3A_214 = vector.broadcast %get3A_210 : vector<1x256xf32> to vector<2048x256xf32>
      %add3A_215 = arith.addf %add3A_213, %add3A_214 : vector<2048x256xf32>
      %sub3A_216 = arith.subf %add3A_215, %dot_general3A_212 : vector<2048x256xf32>
      %get3A_217 = arith.constant 3328 : index
      %get3A_218 = arith.constant 0 : index
      %get3A_219 = vector.load %arg3[%get3A_217, %get3A_218] : memref<8192x256xbf16, #tpu.memory_space<vmem>>, vector<256x256xbf16>
      %get3A_220 = arith.constant 0 : index
      %get3A_221 = arith.constant 3328 : index
      %get3A_222 = vector.load %arg4[%get3A_220, %get3A_221] : memref<1x8192xf32, #tpu.memory_space<vmem>>, vector<1x256xf32>
      %dot_general3A_223 = arith.constant dense<0.000000e+00> : vector<2048x256xf32>
      %dot_general3A_224 = tpu.matmul %get3A_7, %get3A_219, %dot_general3A_223 {dimension_numbers = #tpu.dot_dimension_numbers<[1], [1], [0], [0], [0, 0, 1, 0], [], []>, transpose_lhs_hint = false} : vector<2048x256xbf16>, vector<256x256xbf16>, vector<2048x256xf32> -> vector<2048x256xf32>
      %add3A_225 = vector.broadcast %get3A_10 : vector<2048x1xf32> to vector<2048x256xf32>
      %add3A_226 = vector.broadcast %get3A_222 : vector<1x256xf32> to vector<2048x256xf32>
      %add3A_227 = arith.addf %add3A_225, %add3A_226 : vector<2048x256xf32>
      %sub3A_228 = arith.subf %add3A_227, %dot_general3A_224 : vector<2048x256xf32>
      %min3A_229 = arith.minimumf %sub3A_216, %sub3A_228 : vector<2048x256xf32>
      %lt3A_230 = arith.cmpf olt, %sub3A_228, %sub3A_216 : vector<2048x256xf32>
      %jit3A_231 = arith.constant 13 : i32
      %jit3A_232 = arith.constant 12 : i32
      %broadcast_in_dim3A_233 = vector.broadcast %jit3A_231 : i32 to vector<2048x256xi32>
      %broadcast_in_dim3A_234 = vector.broadcast %jit3A_232 : i32 to vector<2048x256xi32>
      %select_n3A_235 = arith.select %lt3A_230, %broadcast_in_dim3A_233, %broadcast_in_dim3A_234 : vector<2048x256xi1>, vector<2048x256xi32>
      %lt3A_236 = arith.cmpf olt, %min3A_229, %min3A_203 : vector<2048x256xf32>
      %min3A_237 = arith.minimumf %min3A_229, %min3A_203 : vector<2048x256xf32>
      %select_n3A_238 = arith.select %lt3A_236, %select_n3A_235, %select_n3A_204 : vector<2048x256xi1>, vector<2048x256xi32>
      %get3A_239 = arith.constant 3584 : index
      %get3A_240 = arith.constant 0 : index
      %get3A_241 = vector.load %arg3[%get3A_239, %get3A_240] : memref<8192x256xbf16, #tpu.memory_space<vmem>>, vector<256x256xbf16>
      %get3A_242 = arith.constant 0 : index
      %get3A_243 = arith.constant 3584 : index
      %get3A_244 = vector.load %arg4[%get3A_242, %get3A_243] : memref<1x8192xf32, #tpu.memory_space<vmem>>, vector<1x256xf32>
      %dot_general3A_245 = arith.constant dense<0.000000e+00> : vector<2048x256xf32>
      %dot_general3A_246 = tpu.matmul %get3A_7, %get3A_241, %dot_general3A_245 {dimension_numbers = #tpu.dot_dimension_numbers<[1], [1], [0], [0], [0, 0, 1, 0], [], []>, transpose_lhs_hint = false} : vector<2048x256xbf16>, vector<256x256xbf16>, vector<2048x256xf32> -> vector<2048x256xf32>
      %add3A_247 = vector.broadcast %get3A_10 : vector<2048x1xf32> to vector<2048x256xf32>
      %add3A_248 = vector.broadcast %get3A_244 : vector<1x256xf32> to vector<2048x256xf32>
      %add3A_249 = arith.addf %add3A_247, %add3A_248 : vector<2048x256xf32>
      %sub3A_250 = arith.subf %add3A_249, %dot_general3A_246 : vector<2048x256xf32>
      %get3A_251 = arith.constant 3840 : index
      %get3A_252 = arith.constant 0 : index
      %get3A_253 = vector.load %arg3[%get3A_251, %get3A_252] : memref<8192x256xbf16, #tpu.memory_space<vmem>>, vector<256x256xbf16>
      %get3A_254 = arith.constant 0 : index
      %get3A_255 = arith.constant 3840 : index
      %get3A_256 = vector.load %arg4[%get3A_254, %get3A_255] : memref<1x8192xf32, #tpu.memory_space<vmem>>, vector<1x256xf32>
      %dot_general3A_257 = arith.constant dense<0.000000e+00> : vector<2048x256xf32>
      %dot_general3A_258 = tpu.matmul %get3A_7, %get3A_253, %dot_general3A_257 {dimension_numbers = #tpu.dot_dimension_numbers<[1], [1], [0], [0], [0, 0, 1, 0], [], []>, transpose_lhs_hint = false} : vector<2048x256xbf16>, vector<256x256xbf16>, vector<2048x256xf32> -> vector<2048x256xf32>
      %add3A_259 = vector.broadcast %get3A_10 : vector<2048x1xf32> to vector<2048x256xf32>
      %add3A_260 = vector.broadcast %get3A_256 : vector<1x256xf32> to vector<2048x256xf32>
      %add3A_261 = arith.addf %add3A_259, %add3A_260 : vector<2048x256xf32>
      %sub3A_262 = arith.subf %add3A_261, %dot_general3A_258 : vector<2048x256xf32>
      %min3A_263 = arith.minimumf %sub3A_250, %sub3A_262 : vector<2048x256xf32>
      %lt3A_264 = arith.cmpf olt, %sub3A_262, %sub3A_250 : vector<2048x256xf32>
      %jit3A_265 = arith.constant 15 : i32
      %jit3A_266 = arith.constant 14 : i32
      %broadcast_in_dim3A_267 = vector.broadcast %jit3A_265 : i32 to vector<2048x256xi32>
      %broadcast_in_dim3A_268 = vector.broadcast %jit3A_266 : i32 to vector<2048x256xi32>
      %select_n3A_269 = arith.select %lt3A_264, %broadcast_in_dim3A_267, %broadcast_in_dim3A_268 : vector<2048x256xi1>, vector<2048x256xi32>
      %lt3A_270 = arith.cmpf olt, %min3A_263, %min3A_237 : vector<2048x256xf32>
      %min3A_271 = arith.minimumf %min3A_263, %min3A_237 : vector<2048x256xf32>
      %select_n3A_272 = arith.select %lt3A_270, %select_n3A_269, %select_n3A_238 : vector<2048x256xi1>, vector<2048x256xi32>
      %get3A_273 = arith.constant 4096 : index
      %get3A_274 = arith.constant 0 : index
      %get3A_275 = vector.load %arg3[%get3A_273, %get3A_274] : memref<8192x256xbf16, #tpu.memory_space<vmem>>, vector<256x256xbf16>
      %get3A_276 = arith.constant 0 : index
      %get3A_277 = arith.constant 4096 : index
      %get3A_278 = vector.load %arg4[%get3A_276, %get3A_277] : memref<1x8192xf32, #tpu.memory_space<vmem>>, vector<1x256xf32>
      %dot_general3A_279 = arith.constant dense<0.000000e+00> : vector<2048x256xf32>
      %dot_general3A_280 = tpu.matmul %get3A_7, %get3A_275, %dot_general3A_279 {dimension_numbers = #tpu.dot_dimension_numbers<[1], [1], [0], [0], [0, 0, 1, 0], [], []>, transpose_lhs_hint = false} : vector<2048x256xbf16>, vector<256x256xbf16>, vector<2048x256xf32> -> vector<2048x256xf32>
      %add3A_281 = vector.broadcast %get3A_10 : vector<2048x1xf32> to vector<2048x256xf32>
      %add3A_282 = vector.broadcast %get3A_278 : vector<1x256xf32> to vector<2048x256xf32>
      %add3A_283 = arith.addf %add3A_281, %add3A_282 : vector<2048x256xf32>
      %sub3A_284 = arith.subf %add3A_283, %dot_general3A_280 : vector<2048x256xf32>
      %get3A_285 = arith.constant 4352 : index
      %get3A_286 = arith.constant 0 : index
      %get3A_287 = vector.load %arg3[%get3A_285, %get3A_286] : memref<8192x256xbf16, #tpu.memory_space<vmem>>, vector<256x256xbf16>
      %get3A_288 = arith.constant 0 : index
      %get3A_289 = arith.constant 4352 : index
      %get3A_290 = vector.load %arg4[%get3A_288, %get3A_289] : memref<1x8192xf32, #tpu.memory_space<vmem>>, vector<1x256xf32>
      %dot_general3A_291 = arith.constant dense<0.000000e+00> : vector<2048x256xf32>
      %dot_general3A_292 = tpu.matmul %get3A_7, %get3A_287, %dot_general3A_291 {dimension_numbers = #tpu.dot_dimension_numbers<[1], [1], [0], [0], [0, 0, 1, 0], [], []>, transpose_lhs_hint = false} : vector<2048x256xbf16>, vector<256x256xbf16>, vector<2048x256xf32> -> vector<2048x256xf32>
      %add3A_293 = vector.broadcast %get3A_10 : vector<2048x1xf32> to vector<2048x256xf32>
      %add3A_294 = vector.broadcast %get3A_290 : vector<1x256xf32> to vector<2048x256xf32>
      %add3A_295 = arith.addf %add3A_293, %add3A_294 : vector<2048x256xf32>
      %sub3A_296 = arith.subf %add3A_295, %dot_general3A_292 : vector<2048x256xf32>
      %min3A_297 = arith.minimumf %sub3A_284, %sub3A_296 : vector<2048x256xf32>
      %lt3A_298 = arith.cmpf olt, %sub3A_296, %sub3A_284 : vector<2048x256xf32>
      %jit3A_299 = arith.constant 17 : i32
      %jit3A_300 = arith.constant 16 : i32
      %broadcast_in_dim3A_301 = vector.broadcast %jit3A_299 : i32 to vector<2048x256xi32>
      %broadcast_in_dim3A_302 = vector.broadcast %jit3A_300 : i32 to vector<2048x256xi32>
      %select_n3A_303 = arith.select %lt3A_298, %broadcast_in_dim3A_301, %broadcast_in_dim3A_302 : vector<2048x256xi1>, vector<2048x256xi32>
      %lt3A_304 = arith.cmpf olt, %min3A_297, %min3A_271 : vector<2048x256xf32>
      %min3A_305 = arith.minimumf %min3A_297, %min3A_271 : vector<2048x256xf32>
      %select_n3A_306 = arith.select %lt3A_304, %select_n3A_303, %select_n3A_272 : vector<2048x256xi1>, vector<2048x256xi32>
      %get3A_307 = arith.constant 4608 : index
      %get3A_308 = arith.constant 0 : index
      %get3A_309 = vector.load %arg3[%get3A_307, %get3A_308] : memref<8192x256xbf16, #tpu.memory_space<vmem>>, vector<256x256xbf16>
      %get3A_310 = arith.constant 0 : index
      %get3A_311 = arith.constant 4608 : index
      %get3A_312 = vector.load %arg4[%get3A_310, %get3A_311] : memref<1x8192xf32, #tpu.memory_space<vmem>>, vector<1x256xf32>
      %dot_general3A_313 = arith.constant dense<0.000000e+00> : vector<2048x256xf32>
      %dot_general3A_314 = tpu.matmul %get3A_7, %get3A_309, %dot_general3A_313 {dimension_numbers = #tpu.dot_dimension_numbers<[1], [1], [0], [0], [0, 0, 1, 0], [], []>, transpose_lhs_hint = false} : vector<2048x256xbf16>, vector<256x256xbf16>, vector<2048x256xf32> -> vector<2048x256xf32>
      %add3A_315 = vector.broadcast %get3A_10 : vector<2048x1xf32> to vector<2048x256xf32>
      %add3A_316 = vector.broadcast %get3A_312 : vector<1x256xf32> to vector<2048x256xf32>
      %add3A_317 = arith.addf %add3A_315, %add3A_316 : vector<2048x256xf32>
      %sub3A_318 = arith.subf %add3A_317, %dot_general3A_314 : vector<2048x256xf32>
      %get3A_319 = arith.constant 4864 : index
      %get3A_320 = arith.constant 0 : index
      %get3A_321 = vector.load %arg3[%get3A_319, %get3A_320] : memref<8192x256xbf16, #tpu.memory_space<vmem>>, vector<256x256xbf16>
      %get3A_322 = arith.constant 0 : index
      %get3A_323 = arith.constant 4864 : index
      %get3A_324 = vector.load %arg4[%get3A_322, %get3A_323] : memref<1x8192xf32, #tpu.memory_space<vmem>>, vector<1x256xf32>
      %dot_general3A_325 = arith.constant dense<0.000000e+00> : vector<2048x256xf32>
      %dot_general3A_326 = tpu.matmul %get3A_7, %get3A_321, %dot_general3A_325 {dimension_numbers = #tpu.dot_dimension_numbers<[1], [1], [0], [0], [0, 0, 1, 0], [], []>, transpose_lhs_hint = false} : vector<2048x256xbf16>, vector<256x256xbf16>, vector<2048x256xf32> -> vector<2048x256xf32>
      %add3A_327 = vector.broadcast %get3A_10 : vector<2048x1xf32> to vector<2048x256xf32>
      %add3A_328 = vector.broadcast %get3A_324 : vector<1x256xf32> to vector<2048x256xf32>
      %add3A_329 = arith.addf %add3A_327, %add3A_328 : vector<2048x256xf32>
      %sub3A_330 = arith.subf %add3A_329, %dot_general3A_326 : vector<2048x256xf32>
      %min3A_331 = arith.minimumf %sub3A_318, %sub3A_330 : vector<2048x256xf32>
      %lt3A_332 = arith.cmpf olt, %sub3A_330, %sub3A_318 : vector<2048x256xf32>
      %jit3A_333 = arith.constant 19 : i32
      %jit3A_334 = arith.constant 18 : i32
      %broadcast_in_dim3A_335 = vector.broadcast %jit3A_333 : i32 to vector<2048x256xi32>
      %broadcast_in_dim3A_336 = vector.broadcast %jit3A_334 : i32 to vector<2048x256xi32>
      %select_n3A_337 = arith.select %lt3A_332, %broadcast_in_dim3A_335, %broadcast_in_dim3A_336 : vector<2048x256xi1>, vector<2048x256xi32>
      %lt3A_338 = arith.cmpf olt, %min3A_331, %min3A_305 : vector<2048x256xf32>
      %min3A_339 = arith.minimumf %min3A_331, %min3A_305 : vector<2048x256xf32>
      %select_n3A_340 = arith.select %lt3A_338, %select_n3A_337, %select_n3A_306 : vector<2048x256xi1>, vector<2048x256xi32>
      %get3A_341 = arith.constant 5120 : index
      %get3A_342 = arith.constant 0 : index
      %get3A_343 = vector.load %arg3[%get3A_341, %get3A_342] : memref<8192x256xbf16, #tpu.memory_space<vmem>>, vector<256x256xbf16>
      %get3A_344 = arith.constant 0 : index
      %get3A_345 = arith.constant 5120 : index
      %get3A_346 = vector.load %arg4[%get3A_344, %get3A_345] : memref<1x8192xf32, #tpu.memory_space<vmem>>, vector<1x256xf32>
      %dot_general3A_347 = arith.constant dense<0.000000e+00> : vector<2048x256xf32>
      %dot_general3A_348 = tpu.matmul %get3A_7, %get3A_343, %dot_general3A_347 {dimension_numbers = #tpu.dot_dimension_numbers<[1], [1], [0], [0], [0, 0, 1, 0], [], []>, transpose_lhs_hint = false} : vector<2048x256xbf16>, vector<256x256xbf16>, vector<2048x256xf32> -> vector<2048x256xf32>
      %add3A_349 = vector.broadcast %get3A_10 : vector<2048x1xf32> to vector<2048x256xf32>
      %add3A_350 = vector.broadcast %get3A_346 : vector<1x256xf32> to vector<2048x256xf32>
      %add3A_351 = arith.addf %add3A_349, %add3A_350 : vector<2048x256xf32>
      %sub3A_352 = arith.subf %add3A_351, %dot_general3A_348 : vector<2048x256xf32>
      %get3A_353 = arith.constant 5376 : index
      %get3A_354 = arith.constant 0 : index
      %get3A_355 = vector.load %arg3[%get3A_353, %get3A_354] : memref<8192x256xbf16, #tpu.memory_space<vmem>>, vector<256x256xbf16>
      %get3A_356 = arith.constant 0 : index
      %get3A_357 = arith.constant 5376 : index
      %get3A_358 = vector.load %arg4[%get3A_356, %get3A_357] : memref<1x8192xf32, #tpu.memory_space<vmem>>, vector<1x256xf32>
      %dot_general3A_359 = arith.constant dense<0.000000e+00> : vector<2048x256xf32>
      %dot_general3A_360 = tpu.matmul %get3A_7, %get3A_355, %dot_general3A_359 {dimension_numbers = #tpu.dot_dimension_numbers<[1], [1], [0], [0], [0, 0, 1, 0], [], []>, transpose_lhs_hint = false} : vector<2048x256xbf16>, vector<256x256xbf16>, vector<2048x256xf32> -> vector<2048x256xf32>
      %add3A_361 = vector.broadcast %get3A_10 : vector<2048x1xf32> to vector<2048x256xf32>
      %add3A_362 = vector.broadcast %get3A_358 : vector<1x256xf32> to vector<2048x256xf32>
      %add3A_363 = arith.addf %add3A_361, %add3A_362 : vector<2048x256xf32>
      %sub3A_364 = arith.subf %add3A_363, %dot_general3A_360 : vector<2048x256xf32>
      %min3A_365 = arith.minimumf %sub3A_352, %sub3A_364 : vector<2048x256xf32>
      %lt3A_366 = arith.cmpf olt, %sub3A_364, %sub3A_352 : vector<2048x256xf32>
      %jit3A_367 = arith.constant 21 : i32
      %jit3A_368 = arith.constant 20 : i32
      %broadcast_in_dim3A_369 = vector.broadcast %jit3A_367 : i32 to vector<2048x256xi32>
      %broadcast_in_dim3A_370 = vector.broadcast %jit3A_368 : i32 to vector<2048x256xi32>
      %select_n3A_371 = arith.select %lt3A_366, %broadcast_in_dim3A_369, %broadcast_in_dim3A_370 : vector<2048x256xi1>, vector<2048x256xi32>
      %lt3A_372 = arith.cmpf olt, %min3A_365, %min3A_339 : vector<2048x256xf32>
      %min3A_373 = arith.minimumf %min3A_365, %min3A_339 : vector<2048x256xf32>
      %select_n3A_374 = arith.select %lt3A_372, %select_n3A_371, %select_n3A_340 : vector<2048x256xi1>, vector<2048x256xi32>
      %get3A_375 = arith.constant 5632 : index
      %get3A_376 = arith.constant 0 : index
      %get3A_377 = vector.load %arg3[%get3A_375, %get3A_376] : memref<8192x256xbf16, #tpu.memory_space<vmem>>, vector<256x256xbf16>
      %get3A_378 = arith.constant 0 : index
      %get3A_379 = arith.constant 5632 : index
      %get3A_380 = vector.load %arg4[%get3A_378, %get3A_379] : memref<1x8192xf32, #tpu.memory_space<vmem>>, vector<1x256xf32>
      %dot_general3A_381 = arith.constant dense<0.000000e+00> : vector<2048x256xf32>
      %dot_general3A_382 = tpu.matmul %get3A_7, %get3A_377, %dot_general3A_381 {dimension_numbers = #tpu.dot_dimension_numbers<[1], [1], [0], [0], [0, 0, 1, 0], [], []>, transpose_lhs_hint = false} : vector<2048x256xbf16>, vector<256x256xbf16>, vector<2048x256xf32> -> vector<2048x256xf32>
      %add3A_383 = vector.broadcast %get3A_10 : vector<2048x1xf32> to vector<2048x256xf32>
      %add3A_384 = vector.broadcast %get3A_380 : vector<1x256xf32> to vector<2048x256xf32>
      %add3A_385 = arith.addf %add3A_383, %add3A_384 : vector<2048x256xf32>
      %sub3A_386 = arith.subf %add3A_385, %dot_general3A_382 : vector<2048x256xf32>
      %get3A_387 = arith.constant 5888 : index
      %get3A_388 = arith.constant 0 : index
      %get3A_389 = vector.load %arg3[%get3A_387, %get3A_388] : memref<8192x256xbf16, #tpu.memory_space<vmem>>, vector<256x256xbf16>
      %get3A_390 = arith.constant 0 : index
      %get3A_391 = arith.constant 5888 : index
      %get3A_392 = vector.load %arg4[%get3A_390, %get3A_391] : memref<1x8192xf32, #tpu.memory_space<vmem>>, vector<1x256xf32>
      %dot_general3A_393 = arith.constant dense<0.000000e+00> : vector<2048x256xf32>
      %dot_general3A_394 = tpu.matmul %get3A_7, %get3A_389, %dot_general3A_393 {dimension_numbers = #tpu.dot_dimension_numbers<[1], [1], [0], [0], [0, 0, 1, 0], [], []>, transpose_lhs_hint = false} : vector<2048x256xbf16>, vector<256x256xbf16>, vector<2048x256xf32> -> vector<2048x256xf32>
      %add3A_395 = vector.broadcast %get3A_10 : vector<2048x1xf32> to vector<2048x256xf32>
      %add3A_396 = vector.broadcast %get3A_392 : vector<1x256xf32> to vector<2048x256xf32>
      %add3A_397 = arith.addf %add3A_395, %add3A_396 : vector<2048x256xf32>
      %sub3A_398 = arith.subf %add3A_397, %dot_general3A_394 : vector<2048x256xf32>
      %min3A_399 = arith.minimumf %sub3A_386, %sub3A_398 : vector<2048x256xf32>
      %lt3A_400 = arith.cmpf olt, %sub3A_398, %sub3A_386 : vector<2048x256xf32>
      %jit3A_401 = arith.constant 23 : i32
      %jit3A_402 = arith.constant 22 : i32
      %broadcast_in_dim3A_403 = vector.broadcast %jit3A_401 : i32 to vector<2048x256xi32>
      %broadcast_in_dim3A_404 = vector.broadcast %jit3A_402 : i32 to vector<2048x256xi32>
      %select_n3A_405 = arith.select %lt3A_400, %broadcast_in_dim3A_403, %broadcast_in_dim3A_404 : vector<2048x256xi1>, vector<2048x256xi32>
      %lt3A_406 = arith.cmpf olt, %min3A_399, %min3A_373 : vector<2048x256xf32>
      %min3A_407 = arith.minimumf %min3A_399, %min3A_373 : vector<2048x256xf32>
      %select_n3A_408 = arith.select %lt3A_406, %select_n3A_405, %select_n3A_374 : vector<2048x256xi1>, vector<2048x256xi32>
      %get3A_409 = arith.constant 6144 : index
      %get3A_410 = arith.constant 0 : index
      %get3A_411 = vector.load %arg3[%get3A_409, %get3A_410] : memref<8192x256xbf16, #tpu.memory_space<vmem>>, vector<256x256xbf16>
      %get3A_412 = arith.constant 0 : index
      %get3A_413 = arith.constant 6144 : index
      %get3A_414 = vector.load %arg4[%get3A_412, %get3A_413] : memref<1x8192xf32, #tpu.memory_space<vmem>>, vector<1x256xf32>
      %dot_general3A_415 = arith.constant dense<0.000000e+00> : vector<2048x256xf32>
      %dot_general3A_416 = tpu.matmul %get3A_7, %get3A_411, %dot_general3A_415 {dimension_numbers = #tpu.dot_dimension_numbers<[1], [1], [0], [0], [0, 0, 1, 0], [], []>, transpose_lhs_hint = false} : vector<2048x256xbf16>, vector<256x256xbf16>, vector<2048x256xf32> -> vector<2048x256xf32>
      %add3A_417 = vector.broadcast %get3A_10 : vector<2048x1xf32> to vector<2048x256xf32>
      %add3A_418 = vector.broadcast %get3A_414 : vector<1x256xf32> to vector<2048x256xf32>
      %add3A_419 = arith.addf %add3A_417, %add3A_418 : vector<2048x256xf32>
      %sub3A_420 = arith.subf %add3A_419, %dot_general3A_416 : vector<2048x256xf32>
      %get3A_421 = arith.constant 6400 : index
      %get3A_422 = arith.constant 0 : index
      %get3A_423 = vector.load %arg3[%get3A_421, %get3A_422] : memref<8192x256xbf16, #tpu.memory_space<vmem>>, vector<256x256xbf16>
      %get3A_424 = arith.constant 0 : index
      %get3A_425 = arith.constant 6400 : index
      %get3A_426 = vector.load %arg4[%get3A_424, %get3A_425] : memref<1x8192xf32, #tpu.memory_space<vmem>>, vector<1x256xf32>
      %dot_general3A_427 = arith.constant dense<0.000000e+00> : vector<2048x256xf32>
      %dot_general3A_428 = tpu.matmul %get3A_7, %get3A_423, %dot_general3A_427 {dimension_numbers = #tpu.dot_dimension_numbers<[1], [1], [0], [0], [0, 0, 1, 0], [], []>, transpose_lhs_hint = false} : vector<2048x256xbf16>, vector<256x256xbf16>, vector<2048x256xf32> -> vector<2048x256xf32>
      %add3A_429 = vector.broadcast %get3A_10 : vector<2048x1xf32> to vector<2048x256xf32>
      %add3A_430 = vector.broadcast %get3A_426 : vector<1x256xf32> to vector<2048x256xf32>
      %add3A_431 = arith.addf %add3A_429, %add3A_430 : vector<2048x256xf32>
      %sub3A_432 = arith.subf %add3A_431, %dot_general3A_428 : vector<2048x256xf32>
      %min3A_433 = arith.minimumf %sub3A_420, %sub3A_432 : vector<2048x256xf32>
      %lt3A_434 = arith.cmpf olt, %sub3A_432, %sub3A_420 : vector<2048x256xf32>
      %jit3A_435 = arith.constant 25 : i32
      %jit3A_436 = arith.constant 24 : i32
      %broadcast_in_dim3A_437 = vector.broadcast %jit3A_435 : i32 to vector<2048x256xi32>
      %broadcast_in_dim3A_438 = vector.broadcast %jit3A_436 : i32 to vector<2048x256xi32>
      %select_n3A_439 = arith.select %lt3A_434, %broadcast_in_dim3A_437, %broadcast_in_dim3A_438 : vector<2048x256xi1>, vector<2048x256xi32>
      %lt3A_440 = arith.cmpf olt, %min3A_433, %min3A_407 : vector<2048x256xf32>
      %min3A_441 = arith.minimumf %min3A_433, %min3A_407 : vector<2048x256xf32>
      %select_n3A_442 = arith.select %lt3A_440, %select_n3A_439, %select_n3A_408 : vector<2048x256xi1>, vector<2048x256xi32>
      %get3A_443 = arith.constant 6656 : index
      %get3A_444 = arith.constant 0 : index
      %get3A_445 = vector.load %arg3[%get3A_443, %get3A_444] : memref<8192x256xbf16, #tpu.memory_space<vmem>>, vector<256x256xbf16>
      %get3A_446 = arith.constant 0 : index
      %get3A_447 = arith.constant 6656 : index
      %get3A_448 = vector.load %arg4[%get3A_446, %get3A_447] : memref<1x8192xf32, #tpu.memory_space<vmem>>, vector<1x256xf32>
      %dot_general3A_449 = arith.constant dense<0.000000e+00> : vector<2048x256xf32>
      %dot_general3A_450 = tpu.matmul %get3A_7, %get3A_445, %dot_general3A_449 {dimension_numbers = #tpu.dot_dimension_numbers<[1], [1], [0], [0], [0, 0, 1, 0], [], []>, transpose_lhs_hint = false} : vector<2048x256xbf16>, vector<256x256xbf16>, vector<2048x256xf32> -> vector<2048x256xf32>
      %add3A_451 = vector.broadcast %get3A_10 : vector<2048x1xf32> to vector<2048x256xf32>
      %add3A_452 = vector.broadcast %get3A_448 : vector<1x256xf32> to vector<2048x256xf32>
      %add3A_453 = arith.addf %add3A_451, %add3A_452 : vector<2048x256xf32>
      %sub3A_454 = arith.subf %add3A_453, %dot_general3A_450 : vector<2048x256xf32>
      %get3A_455 = arith.constant 6912 : index
      %get3A_456 = arith.constant 0 : index
      %get3A_457 = vector.load %arg3[%get3A_455, %get3A_456] : memref<8192x256xbf16, #tpu.memory_space<vmem>>, vector<256x256xbf16>
      %get3A_458 = arith.constant 0 : index
      %get3A_459 = arith.constant 6912 : index
      %get3A_460 = vector.load %arg4[%get3A_458, %get3A_459] : memref<1x8192xf32, #tpu.memory_space<vmem>>, vector<1x256xf32>
      %dot_general3A_461 = arith.constant dense<0.000000e+00> : vector<2048x256xf32>
      %dot_general3A_462 = tpu.matmul %get3A_7, %get3A_457, %dot_general3A_461 {dimension_numbers = #tpu.dot_dimension_numbers<[1], [1], [0], [0], [0, 0, 1, 0], [], []>, transpose_lhs_hint = false} : vector<2048x256xbf16>, vector<256x256xbf16>, vector<2048x256xf32> -> vector<2048x256xf32>
      %add3A_463 = vector.broadcast %get3A_10 : vector<2048x1xf32> to vector<2048x256xf32>
      %add3A_464 = vector.broadcast %get3A_460 : vector<1x256xf32> to vector<2048x256xf32>
      %add3A_465 = arith.addf %add3A_463, %add3A_464 : vector<2048x256xf32>
      %sub3A_466 = arith.subf %add3A_465, %dot_general3A_462 : vector<2048x256xf32>
      %min3A_467 = arith.minimumf %sub3A_454, %sub3A_466 : vector<2048x256xf32>
      %lt3A_468 = arith.cmpf olt, %sub3A_466, %sub3A_454 : vector<2048x256xf32>
      %jit3A_469 = arith.constant 27 : i32
      %jit3A_470 = arith.constant 26 : i32
      %broadcast_in_dim3A_471 = vector.broadcast %jit3A_469 : i32 to vector<2048x256xi32>
      %broadcast_in_dim3A_472 = vector.broadcast %jit3A_470 : i32 to vector<2048x256xi32>
      %select_n3A_473 = arith.select %lt3A_468, %broadcast_in_dim3A_471, %broadcast_in_dim3A_472 : vector<2048x256xi1>, vector<2048x256xi32>
      %lt3A_474 = arith.cmpf olt, %min3A_467, %min3A_441 : vector<2048x256xf32>
      %min3A_475 = arith.minimumf %min3A_467, %min3A_441 : vector<2048x256xf32>
      %select_n3A_476 = arith.select %lt3A_474, %select_n3A_473, %select_n3A_442 : vector<2048x256xi1>, vector<2048x256xi32>
      %get3A_477 = arith.constant 7168 : index
      %get3A_478 = arith.constant 0 : index
      %get3A_479 = vector.load %arg3[%get3A_477, %get3A_478] : memref<8192x256xbf16, #tpu.memory_space<vmem>>, vector<256x256xbf16>
      %get3A_480 = arith.constant 0 : index
      %get3A_481 = arith.constant 7168 : index
      %get3A_482 = vector.load %arg4[%get3A_480, %get3A_481] : memref<1x8192xf32, #tpu.memory_space<vmem>>, vector<1x256xf32>
      %dot_general3A_483 = arith.constant dense<0.000000e+00> : vector<2048x256xf32>
      %dot_general3A_484 = tpu.matmul %get3A_7, %get3A_479, %dot_general3A_483 {dimension_numbers = #tpu.dot_dimension_numbers<[1], [1], [0], [0], [0, 0, 1, 0], [], []>, transpose_lhs_hint = false} : vector<2048x256xbf16>, vector<256x256xbf16>, vector<2048x256xf32> -> vector<2048x256xf32>
      %add3A_485 = vector.broadcast %get3A_10 : vector<2048x1xf32> to vector<2048x256xf32>
      %add3A_486 = vector.broadcast %get3A_482 : vector<1x256xf32> to vector<2048x256xf32>
      %add3A_487 = arith.addf %add3A_485, %add3A_486 : vector<2048x256xf32>
      %sub3A_488 = arith.subf %add3A_487, %dot_general3A_484 : vector<2048x256xf32>
      %get3A_489 = arith.constant 7424 : index
      %get3A_490 = arith.constant 0 : index
      %get3A_491 = vector.load %arg3[%get3A_489, %get3A_490] : memref<8192x256xbf16, #tpu.memory_space<vmem>>, vector<256x256xbf16>
      %get3A_492 = arith.constant 0 : index
      %get3A_493 = arith.constant 7424 : index
      %get3A_494 = vector.load %arg4[%get3A_492, %get3A_493] : memref<1x8192xf32, #tpu.memory_space<vmem>>, vector<1x256xf32>
      %dot_general3A_495 = arith.constant dense<0.000000e+00> : vector<2048x256xf32>
      %dot_general3A_496 = tpu.matmul %get3A_7, %get3A_491, %dot_general3A_495 {dimension_numbers = #tpu.dot_dimension_numbers<[1], [1], [0], [0], [0, 0, 1, 0], [], []>, transpose_lhs_hint = false} : vector<2048x256xbf16>, vector<256x256xbf16>, vector<2048x256xf32> -> vector<2048x256xf32>
      %add3A_497 = vector.broadcast %get3A_10 : vector<2048x1xf32> to vector<2048x256xf32>
      %add3A_498 = vector.broadcast %get3A_494 : vector<1x256xf32> to vector<2048x256xf32>
      %add3A_499 = arith.addf %add3A_497, %add3A_498 : vector<2048x256xf32>
      %sub3A_500 = arith.subf %add3A_499, %dot_general3A_496 : vector<2048x256xf32>
      %min3A_501 = arith.minimumf %sub3A_488, %sub3A_500 : vector<2048x256xf32>
      %lt3A_502 = arith.cmpf olt, %sub3A_500, %sub3A_488 : vector<2048x256xf32>
      %jit3A_503 = arith.constant 29 : i32
      %jit3A_504 = arith.constant 28 : i32
      %broadcast_in_dim3A_505 = vector.broadcast %jit3A_503 : i32 to vector<2048x256xi32>
      %broadcast_in_dim3A_506 = vector.broadcast %jit3A_504 : i32 to vector<2048x256xi32>
      %select_n3A_507 = arith.select %lt3A_502, %broadcast_in_dim3A_505, %broadcast_in_dim3A_506 : vector<2048x256xi1>, vector<2048x256xi32>
      %lt3A_508 = arith.cmpf olt, %min3A_501, %min3A_475 : vector<2048x256xf32>
      %min3A_509 = arith.minimumf %min3A_501, %min3A_475 : vector<2048x256xf32>
      %select_n3A_510 = arith.select %lt3A_508, %select_n3A_507, %select_n3A_476 : vector<2048x256xi1>, vector<2048x256xi32>
      %get3A_511 = arith.constant 7680 : index
      %get3A_512 = arith.constant 0 : index
      %get3A_513 = vector.load %arg3[%get3A_511, %get3A_512] : memref<8192x256xbf16, #tpu.memory_space<vmem>>, vector<256x256xbf16>
      %get3A_514 = arith.constant 0 : index
      %get3A_515 = arith.constant 7680 : index
      %get3A_516 = vector.load %arg4[%get3A_514, %get3A_515] : memref<1x8192xf32, #tpu.memory_space<vmem>>, vector<1x256xf32>
      %dot_general3A_517 = arith.constant dense<0.000000e+00> : vector<2048x256xf32>
      %dot_general3A_518 = tpu.matmul %get3A_7, %get3A_513, %dot_general3A_517 {dimension_numbers = #tpu.dot_dimension_numbers<[1], [1], [0], [0], [0, 0, 1, 0], [], []>, transpose_lhs_hint = false} : vector<2048x256xbf16>, vector<256x256xbf16>, vector<2048x256xf32> -> vector<2048x256xf32>
      %add3A_519 = vector.broadcast %get3A_10 : vector<2048x1xf32> to vector<2048x256xf32>
      %add3A_520 = vector.broadcast %get3A_516 : vector<1x256xf32> to vector<2048x256xf32>
      %add3A_521 = arith.addf %add3A_519, %add3A_520 : vector<2048x256xf32>
      %sub3A_522 = arith.subf %add3A_521, %dot_general3A_518 : vector<2048x256xf32>
      %get3A_523 = arith.constant 7936 : index
      %get3A_524 = arith.constant 0 : index
      %get3A_525 = vector.load %arg3[%get3A_523, %get3A_524] : memref<8192x256xbf16, #tpu.memory_space<vmem>>, vector<256x256xbf16>
      %get3A_526 = arith.constant 0 : index
      %get3A_527 = arith.constant 7936 : index
      %get3A_528 = vector.load %arg4[%get3A_526, %get3A_527] : memref<1x8192xf32, #tpu.memory_space<vmem>>, vector<1x256xf32>
      %dot_general3A_529 = arith.constant dense<0.000000e+00> : vector<2048x256xf32>
      %dot_general3A_530 = tpu.matmul %get3A_7, %get3A_525, %dot_general3A_529 {dimension_numbers = #tpu.dot_dimension_numbers<[1], [1], [0], [0], [0, 0, 1, 0], [], []>, transpose_lhs_hint = false} : vector<2048x256xbf16>, vector<256x256xbf16>, vector<2048x256xf32> -> vector<2048x256xf32>
      %add3A_531 = vector.broadcast %get3A_10 : vector<2048x1xf32> to vector<2048x256xf32>
      %add3A_532 = vector.broadcast %get3A_528 : vector<1x256xf32> to vector<2048x256xf32>
      %add3A_533 = arith.addf %add3A_531, %add3A_532 : vector<2048x256xf32>
      %sub3A_534 = arith.subf %add3A_533, %dot_general3A_530 : vector<2048x256xf32>
      %min3A_535 = arith.minimumf %sub3A_522, %sub3A_534 : vector<2048x256xf32>
      %lt3A_536 = arith.cmpf olt, %sub3A_534, %sub3A_522 : vector<2048x256xf32>
      %jit3A_537 = arith.constant 31 : i32
      %jit3A_538 = arith.constant 30 : i32
      %broadcast_in_dim3A_539 = vector.broadcast %jit3A_537 : i32 to vector<2048x256xi32>
      %broadcast_in_dim3A_540 = vector.broadcast %jit3A_538 : i32 to vector<2048x256xi32>
      %select_n3A_541 = arith.select %lt3A_536, %broadcast_in_dim3A_539, %broadcast_in_dim3A_540 : vector<2048x256xi1>, vector<2048x256xi32>
      %lt3A_542 = arith.cmpf olt, %min3A_535, %min3A_509 : vector<2048x256xf32>
      %min3A_543 = arith.minimumf %min3A_535, %min3A_509 : vector<2048x256xf32>
      %select_n3A_544 = arith.select %lt3A_542, %select_n3A_541, %select_n3A_510 : vector<2048x256xi1>, vector<2048x256xi32>
      %rem3A = arith.constant 2 : i32
      %rem3A_545 = arith.remsi %arg0, %rem3A : i32
      %swap3A = arith.index_cast %rem3A_545 : i32 to index
      %swap3A_546 = arith.constant 0 : index
      %swap3A_547 = arith.constant 0 : index
      %swap3A_548 = vector.load %arg8[%swap3A, %swap3A_546, %swap3A_547] : memref<2x2048x256xf32, #tpu.memory_space<vmem>>, vector<1x2048x256xf32>
      %swap3A_549 = vector.shape_cast %swap3A_548 : vector<1x2048x256xf32> to vector<2048x256xf32>
      %swap3A_550 = vector.shape_cast %min3A_543 : vector<2048x256xf32> to vector<1x2048x256xf32>
      tpu.vector_store %arg8[%swap3A, %swap3A_546, %swap3A_547], %swap3A_550 {strides = array<i32>} : memref<2x2048x256xf32, #tpu.memory_space<vmem>>, vector<1x2048x256xf32>,
      %swap3A_551 = arith.index_cast %rem3A_545 : i32 to index
      %swap3A_552 = arith.constant 0 : index
      %swap3A_553 = arith.constant 0 : index
      %swap3A_554 = vector.load %arg9[%swap3A_551, %swap3A_552, %swap3A_553] : memref<2x2048x256xi32, #tpu.memory_space<vmem>>, vector<1x2048x256xi32>
      %swap3A_555 = vector.shape_cast %swap3A_554 : vector<1x2048x256xi32> to vector<2048x256xi32>
      %swap3A_556 = vector.shape_cast %select_n3A_544 : vector<2048x256xi32> to vector<1x2048x256xi32>
      tpu.vector_store %arg9[%swap3A_551, %swap3A_552, %swap3A_553], %swap3A_556 {strides = array<i32>} : memref<2x2048x256xi32, #tpu.memory_space<vmem>>, vector<1x2048x256xi32>,
    } else {
    }
    return
  }
  func.func @transform_0(%arg0: i32) -> (i32, i32) {
    %min3A = arith.constant 8 : i32
    %min3A_0 = arith.minsi %arg0, %min3A : i32
    %c0_i32 = arith.constant 0 : i32
    %c0_i32_1 = arith.constant 0 : i32
    return %min3A_0, %c0_i32 : i32, i32
  }
  func.func @transform_1(%arg0: i32) -> (i32, i32) {
    %min3A = arith.constant 8 : i32
    %min3A_0 = arith.minsi %arg0, %min3A : i32
    %c0_i32 = arith.constant 0 : i32
    %c0_i32_1 = arith.constant 0 : i32
    return %min3A_0, %c0_i32 : i32, i32
  }
  func.func @transform_2(%arg0: i32) -> (i32, i32) {
    %c0_i32 = arith.constant 0 : i32
    %c0_i32_0 = arith.constant 0 : i32
    %c0_i32_1 = arith.constant 0 : i32
    return %c0_i32, %c0_i32_0 : i32, i32
  }
  func.func @transform_3(%arg0: i32) -> (i32, i32) {
    %c0_i32 = arith.constant 0 : i32
    %c0_i32_0 = arith.constant 0 : i32
    %c0_i32_1 = arith.constant 0 : i32
    return %c0_i32, %c0_i32_0 : i32, i32
  }
  func.func @transform_4(%arg0: i32) -> (i32, i32) {
    %max3A = arith.constant 1 : i32
    %max3A_0 = arith.maxsi %arg0, %max3A : i32
    %sub3A = arith.constant 1 : i32
    %sub3A_1 = arith.subi %max3A_0, %sub3A : i32
    %c0_i32 = arith.constant 0 : i32
    %c0_i32_2 = arith.constant 0 : i32
    return %sub3A_1, %c0_i32 : i32, i32
  }
  func.func @transform_5(%arg0: i32) -> (i32, i32) {
    %c0_i32 = arith.constant 0 : i32
    %c0_i32_0 = arith.constant 0 : i32
    %c0_i32_1 = arith.constant 0 : i32
    return %c0_i32, %c0_i32_0 : i32, i32
  }
}

</mosaic_0001>

<sc_bundles>
// kernel: kernel.4.cloned.1.call-start
scs
__scs_entry_jumppad:
0x0: {  	(pc) =	sbr.rel $0x88, $3  }
0x1: {  	(tag) =	ssettag $0x0;
	lr =	simm.s32 $0x1  }
0x2: {  	[smem:$0x3F9F] =	sst lr;
	_ =	strace $0xD0000000  }
0x3: {  	_ = 	snop  }
0x4: {  	_ = 	snop  }
0x5: {  	_ = 	snop  }
0x6: {  	_ = 	snop  }
0x7: {  	_ = 	snop  }
__scs_overlays_trampoline_lowered:
0x8: {  	[smem:$0x3FAE] =	sst s0  }
0x9: {  	[smem:$0x3FAF] =	sst s1  }
0xa: {  	[smem:$0x3FB0] =	sst s2  }
0xb: {  	[smem:$0x3FB1] =	sst s3  }
0xc: {  	[smem:$0x3FB2] =	sst s4  }
0xd: {  	[smem:$0x3FB3] =	sst s5  }
0xe: {  	[smem:$0x3FB4] =	sst s6  }
0xf: {  	[smem:$0x3FB5] =	sst s7  }
0x10: {  	[smem:$0x3FB6] =	sst s8  }
0x11: {  	[smem:$0x3FB7] =	sst s9;
	s0 =	simm.s32 @!p0 $0x0  }
0x12: {  	s1 =	sld [smem:$0x3F9D];
	s0 =	simm.s32 @p0 $0x1  }
0x13: {  	[smem:$0x3FB8] =	sst s0;
	s0 =	simm.s32 @!p1 $0x0  }
0x14: {  	s2 =	sld [smem:$0x3F9C];
	s0 =	simm.s32 @p1 $0x1  }
0x15: {  	[smem:$0x3FB9] =	sst s0;
	s0 =	simm.s32 @!p2 $0x0  }
0x16: {  	s3 =	sld [smem:$0x3FDB];
	s0 =	simm.s32 @p2 $0x1  }
0x17: {  	s4 =	simm.s32 $0x1BF5;
	[smem:$0x3FBB] =	sst s0  }
0x18: {  	s0 =	sld [smem:$0x3F9E];
	_ =	swait.ge [sflag:s4], $0x0  }
0x19: {  	s7 =	sld [smem:$0x3F9F]  }
0x1a: {  	s8 =	sadd.s32 $0xFFFFE003, lr  }
0x1b: {  	s9 =	sadd.s32 $0xFFFFFEF7, lr;
	s5 =	simm.s32 $0xFFFFFFFF;
	p2 =	slt.u32 s8, $0xFFFFF086  }
0x1c: {  	p1 =	slt.u32 s9, $0xF7A;
	s5 =	simm.s32 @!p2 $0x0  }
0x1d: {  	s5 =	simm.s32 @p1 $0x1;
	p0 =	seq.s32 s7, s2  }
0x1e: {  	s7 =	smul.u32 @!p0 $0xF7A, s2;
	p2 =	seq.s32 @!p0 s5, $0x0  }
0x1f: {  	s9 =	smul.u32 $0xF7A, s1;
	s8 =	simm.s32 @!p0 $0x1BF5;
	p2 =	por !p2, p0  }
0x20: {  	[sflag:s8] =	ssyncset.s32 @!p0 $0xFFFFF086;
	s6 =	sadd.s32 @!p0 s3, s7;
	s7 =	simm.s32 @!p0 $0x108  }
0x21: {  	s3 =	sadd.s32 s3, s9;
	s6 =	sadd.s32 @!p0 $0x88, s6;
	s7 =	simm.s32 @p2 $0x1082  }
0x22: {  	[simem:s7], [sflag:s8] =	dma.local @!p0 [hbm:s6], $0xF7A  }
0x23: {  	s9 =	sor.u32 $0xD0000000, s2;
	s6 =	simm.s32 $0x108;
	_ =	swait.ge @!p0 [sflag:s8], $0x0  }
0x24: {  	s3 =	sadd.s32 $0x88, s3;
	s6 =	simm.s32 @!p1 $0x1082;
	[sflag:s4] =	ssyncset.s32 $0xFFFFF086  }
0x25: {  	[simem:s6], [sflag:s4] =	dma.local [hbm:s3], $0xF7A  }
0x26: {  	[smem:$0x3F9F] =	sst s1;
	(tag) =	ssettag s2;
	_ =	strace s9  }
0x27: {  	s1 =	sld [smem:$0x3FAF]  }
0x28: {  	s2 =	sld [smem:$0x3FB0]  }
0x29: {  	s4 =	sld [smem:$0x3FB2]  }
0x2a: {  	p0 =	seq.s32 s5, $0x0;
	s5 =	sld [smem:$0x3FB3]  }
0x2b: {  	s6 =	sld [smem:$0x3FB4]  }
0x2c: {  	s7 =	sld [smem:$0x3FB5]  }
0x2d: {  	s3 =	simm.s32 $0x108;
	s8 =	sld [smem:$0x3FB6]  }
0x2e: {  	s3 =	simm.s32 @!p0 $0x1082;
	s9 =	sld [smem:$0x3FB7]  }
0x2f: {  	lr =	sadd.s32 s0, s3;
	s0 =	sld [smem:$0x3FAE]  }
0x30: {  	s3 =	sld [smem:$0x3FB1]  }
0x31: {  	[smem:$0x3FBA] =	sst s10  }
0x32: {  	s10 =	sld [smem:$0x3FB8];
	_ =	sdelay $0x3  }
0x33: {  	p0 =	seq.s32 s10, $0x1;
	s10 =	sld [smem:$0x3FBA];
	_ =	sdelay $0x3  }
0x34: {  	[smem:$0x3FBA] =	sst s10  }
0x35: {  	s10 =	sld [smem:$0x3FB9];
	_ =	sdelay $0x3  }
0x36: {  	p1 =	seq.s32 s10, $0x1;
	s10 =	sld [smem:$0x3FBA];
	_ =	sdelay $0x3  }
0x37: {  	[smem:$0x3FBA] =	sst s10  }
0x38: {  	s10 =	sld [smem:$0x3FBB]  }
0x39: {  	_ = 	snop;
	(pc) =	sbr.ind lr, $3  }
0x3a: {  	_ = 	snop  }
0x3b: {  	_ = 	snop  }
0x3c: {  	p2 =	seq.s32 s10, $0x1;
	s10 =	sld [smem:$0x3FBA]  }
0x3d: {  	_ =	shalt  }
0x3e: {  	_ =	shalt  }
0x3f: {  	_ =	shalt  }
0x40: {  	_ =	shalt  }
0x41: {  	_ =	shalt  }
0x42: {  	_ =	shalt  }
0x43: {  	_ =	shalt  }
0x44: {  	_ =	shalt  }
0x45: {  	_ =	shalt  }
0x46: {  	_ =	shalt  }
0x47: {  	_ =	shalt  }
0x48: {  	_ =	shalt  }
0x49: {  	_ =	shalt  }
0x4a: {  	_ =	shalt  }
0x4b: {  	_ =	shalt  }
0x4c: {  	_ =	shalt  }
0x4d: {  	_ =	shalt  }
0x4e: {  	_ =	shalt  }
0x4f: {  	_ =	shalt  }
0x50: {  	_ =	shalt  }
0x51: {  	_ =	shalt  }
0x52: {  	_ =	shalt  }
0x53: {  	_ =	shalt  }
0x54: {  	_ =	shalt  }
0x55: {  	_ =	shalt  }
0x56: {  	_ =	shalt  }
0x57: {  	_ =	shalt  }
0x58: {  	_ =	shalt  }
0x59: {  	_ =	shalt  }
0x5a: {  	_ =	shalt  }
0x5b: {  	_ =	shalt  }
0x5c: {  	_ =	shalt  }
0x5d: {  	_ =	shalt  }
0x5e: {  	_ =	shalt  }
0x5f: {  	_ =	shalt  }
0x60: {  	_ =	shalt  }
0x61: {  	_ =	shalt  }
0x62: {  	_ =	shalt  }
0x63: {  	_ =	shalt  }
0x64: {  	_ =	shalt  }
0x65: {  	_ =	shalt  }
0x66: {  	_ =	shalt  }
0x67: {  	_ =	shalt  }
0x68: {  	_ =	shalt  }
0x69: {  	_ =	shalt  }
0x6a: {  	_ =	shalt  }
0x6b: {  	_ =	shalt  }
0x6c: {  	_ =	shalt  }
0x6d: {  	_ =	shalt  }
0x6e: {  	_ =	shalt  }
0x6f: {  	_ =	shalt  }
0x70: {  	_ =	shalt  }
0x71: {  	_ =	shalt  }
0x72: {  	_ =	shalt  }
0x73: {  	_ =	shalt  }
0x74: {  	_ =	shalt  }
0x75: {  	_ =	shalt  }
0x76: {  	_ =	shalt  }
0x77: {  	_ =	shalt  }
0x78: {  	_ =	shalt  }
0x79: {  	_ =	shalt  }
0x7a: {  	_ =	shalt  }
0x7b: {  	_ =	shalt  }
0x7c: {  	_ =	shalt  }
0x7d: {  	_ =	shalt  }
0x7e: {  	_ =	shalt  }
0x7f: {  	_ =	shalt  }
0x80: {  	_ =	shalt  }
0x81: {  	_ =	shalt  }
0x82: {  	_ =	shalt  }
0x83: {  	_ =	shalt  }
0x84: {  	_ =	shalt  }
0x85: {  	_ =	shalt  }
0x86: {  	_ =	shalt  }
0x87: {  	_ =	shalt  }
.Lfunc_end0:
.L_simem_size_0:
called_computation_lowered:
.L_overlay_start_0:
0x88: {  	s2 =	sld [smem:$0x3FD9]  }
0x89: {  	s3 =	sld [smem:$0x3FFE];
	_ =	sdelay $0x1  }
0x8a: {  	s1 =	srdreg.scid  }
0x8b: {  	s0 =	sand.u32 $0x1, s1  }
0x8c: {  	s14 =	sshll.u32 s0, $0xA;
	s2 =	sadd.s32 s3, s2  }
0x8d: {  	s2 =	sadd.s32 s2, s14  }
0x8e: {  	[smem:$0x3FC6] =	sst s2  }
0x8f: {  	_ = 	snop  }
0x90: {  	s2 =	sld [smem:$0x3FD0];
	_ =	sdelay $0x2  }
0x91: {  	s4 =	simm.s32 $0xA;
	s5 =	simm.s32 $0x10;
	s15 =	sld [smem:$0x3FC8]  }
0x92: {  	[smem:s5], [sflag:s4] =	dma.local [hbm:s2], $0x1  }
0x93: {  	_ =	swait.eq [sflag:s4], $0x1  }
0x94: {  	[sflag:s4] =	ssyncset.done $0x0  }
0x95: {  	[sflag:s4] =	ssyncadd.s32 $0xFFFFFFFF  }
0x96: {  	s16 =	sld [smem:$0x10];
	(tm) =	ssettm $0x1  }
0x97: {  	s17 =	sld [smem:$0x3FFB];
	_ =	sdelay $0x3  }
0x98: {  	_ =	strace s17  }
0x99: {  	s4 =	sld [smem:$0x3FFC];
	_ =	sdelay $0x3  }
0x9a: {  	_ =	strace s4  }
0x9b: {  	s4 =	sld [smem:$0x3FFD];
	_ =	sdelay $0x3  }
0x9c: {  	_ =	strace s4  }
0x9d: {  	_ =	strace $0x8FFFFFFF  }
0x9e: {  	s18 =	sld [smem:$0x3FDB];
	_ =	sdelay $0x1  }
0x9f: {  	s19 =	simm.s32 $_scs_section_size  }
0xa0: {  	s6 =	simm.s32 $_size__tile_overlayer_lowered;
	s7 =	simm.s32 $_tile_overlayer_lowered  }
0xa1: {  	s22 =	simm.s32 $0x1BFF;
	s21 =	sshll.u32 s7, $0x1;
	s4 =	sadd.s32 s19, s18  }
0xa2: {  	s8 =	simm.s32 $0x0;
	s20 =	sshll.u32 s6, $0x1;
	s6 =	sadd.s32 s21, s4  }
0xa3: {  	[timem:s8], [sflag:s22] =	dma.local [hbm:s6], s20  }
0xa4: {  	_ =	swait.ge [sflag:s22], s20  }
0xa5: {  	s5 =	ssub.s32 $0x0, s20;
	[sflag:s22] =	ssyncset.done $0x0  }
0xa6: {  	[sflag:s22] =	ssyncadd.s32 s5;
	_ =	sdelay $0x1  }
0xa7: {  	s23 =	simm.s32 $0x1B8B  }
0xa8: {  	_ =	swait.ge [sflag:s23], $0x1  }
0xa9: {  	[sflag:s23] =	ssyncset.done $0x0  }
0xaa: {  	s25 =	simm.s32 $0x1B8E;
	s24 =	sld [smem:$0x3FFE];
	[sflag:s23] =	ssyncadd.s32 $0xFFFFFFFF  }
0xab: {  	s26 =	simm.s32 $execute0_lowered;
	[smem:$0x3FD2] =	sst s25  }
0xac: {  	s6 =	sshll.u32 s26, $0x1;
	_ =	strace $0x80000046;
	[dreg:$0x1] =	wrdreg $0xFFFFFFFF  }
0xad: {  	s28 =	simm.s32 $_size_execute0_lowered;
	s4 =	sadd.s32 s4, s6;
	[dreg:$0x0] =	wrdreg $0x0  }
0xae: {  	s6 =	sshll.u32 s28, $0x1;
	[dreg:$0x2] =	wrdreg s4  }
0xaf: {  	[dreg:$0x3] =	wrdreg s6  }
0xb0: {  	[dreg:$0x4] =	wrdreg $0xC0  }
0xb1: {  	_ =	task [dreg:s8], $0x5FFFF  }
0xb2: {  	[dreg:$0x1] =	wrdreg $0xFFFFFFFF  }
0xb3: {  	[dreg:$0x0] =	wrdreg $0x60  }
0xb4: {  	[dreg:$0x2] =	wrdreg s15  }
0xb5: {  	[dreg:$0x3] =	wrdreg s24  }
0xb6: {  	[dreg:$0x4] =	wrdreg s16  }
0xb7: {  	[dreg:$0x5] =	wrdreg $0x9  }
0xb8: {  	_ =	task.clear_ibuf [dreg:s8], $0x6FFFF;
	_ =	strace $0x90000046  }
0xb9: {  	s29 =	simm.s32 $0x9;
	_ =	strace $0x80000048  }
0xba: {  	_ =	swait.ge [sflag:s29], $0x1  }
0xbb: {  	[sflag:s29] =	ssyncadd.s32 $0xFFFFFFFF  }
0xbc: {  	_ =	strace $0x90000048  }
0xbd: {  	_ =	sfence  }
0xbe: {  	s30 =	sld [smem:$0x0];
	_ =	sdelay $0x2  }
0xbf: {  	s31 =	sshll.u32 s1, $0xD;
	s1 =	sshrl.u32 s1, $0x2  }
0xc0: {  	s3 =	sand.u32 $0x4000, s31;
	s1 =	sadd.s32 s1, s30  }
0xc1: {  	s0 =	sor.u32 s3, s0;
	s1 =	sshll.u32 s1, $0x11  }
0xc2: {  	s0 =	sor.u32 s1, s0  }
0xc3: {  	s0 =	sadd.s32 $0x8F2B, s0  }
0xc4: {  	[sflag:s0] =	ssyncadd.remote.s32 $0x1  }
0xc5: {  	_ =	sfence.sel $0xFFFF  }
0xc6: {  	[dreg:$0x0] =	wrdreg $0xFFFFFFFF;
	(pc) =	sbr.abs _section_cstart, $3  }
0xc7: {  	[dreg:$0x1] =	wrdreg $0xFFFFFFFF  }
0xc8: {  	_ =	task.clear_ibuf [dreg:s8], $0x2FFFF;
	_ =	strace $0x9FFFFFFF  }
0xc9: {  	(tm) =	ssettm $0x7FFFFFFF  }
tec
execute0_lowered:
.L_overlay_start_1:
0x0: {  	(tag) =	ssettag $0x1  }
0x1: {  	s0 =	srdreg.scid;
	s1 =	rddreg [dreg:$0x0]  }
0x2: {  	s2 =	stileid.u32;
	s4 =	rddreg [dreg:$0x1]  }
0x3: {  	s5 =	rddreg [dreg:$0x2];
	s3 =	simm.s32 $0x0;
	s31 =	simm.s32 $0x1  }
0x4: {  	s18 =	simm.s32 $0x280;
	s8 =	simm.s32 $0xA80;
	s9 =	simm.s32 $0x1280  }
0x5: {  	s10 =	simm.s32 $0x1A80;
	s11 =	simm.s32 $0x2280;
	s12 =	simm.s32 $0x2A80  }
0x6: {  	s13 =	simm.s32 $0x3280;
	s14 =	simm.s32 $0x3A80;
	s15 =	simm.s32 $0x4280  }
0x7: {  	s16 =	simm.s32 $0x4A80;
	s0 =	sand.u32 $0x1, s0;
	s2 =	sshll.u32 s2, $0x1  }
0x8: {  	s17 =	simm.s32 $0x5280;
	s28 =	simm.s32 $0xA280;
	s2 =	sor.u32 s0, s2  }
0x9: {  	s29 =	simm.s32 $0xAA80;
	s30 =	simm.s32 $0xB280;
	s6 =	smul.u32 $0x48, s2  }
0xa: {  	[smem:$0x7FF] =	sst s3;
	s0 =	ssub.s32 $0x2, s0;
	s7 =	smul.u32 $0x24000, s2  }
0xb: {  	_ =	strace $0x80000047;
	s2 =	smul.u32 $0x4800, s2;
	s25 =	sshrl.u32 s0, $0x1  }
0xc: {  	s0 =	ssub.s32 s0, s25;
	s25 =	simm.s32 $0x9280;
	s4 =	sadd.s32 s4, s6  }
0xd: {  	s19 =	sshrl.u32 s7, $0x3;
	s2 =	sadd.s32 s5, s2;
	[dreg:$0x4] =	wrdreg s4  }
0xe: {  	s6 =	simm.s32 $0x6280;
	s20 =	sadd.s32 s5, s19;
	[dreg:$0x5] =	wrdreg s2  }
0xf: {  	s4 =	smax.u32 s0, $0x1;
	s2 =	simm.s32 $0x3;
	s21 =	sadd.s32 $0xC00, s20  }
0x10: {  	s0 =	simm.s32 $0x2;
	s22 =	sadd.s32 $0x1800, s20;
	[dreg:$0x6] =	wrdreg s21  }
0x11: {  	s5 =	simm.s32 $0x4;
	s23 =	sadd.s32 $0x2400, s20;
	[dreg:$0x7] =	wrdreg s22  }
0x12: {  	s19 =	simm.s32 $0x5A80;
	s24 =	sadd.s32 $0x3000, s20;
	[dreg:$0x8] =	wrdreg s23  }
0x13: {  	v2 =	vlaneseq.u32;
	s26 =	sadd.s32 $0x3C00, s20;
	s20 =	simm.s32 $0x6A80;
	[dreg:$0x9] =	wrdreg s24  }
0x14: {  	vm0 =	vmmov $0xffff;
	v1 =	vshrl.u32 v2, $0x3;
	[dreg:$0xa] =	wrdreg s26;
	s21 =	simm.s32 $0x7280;
	s22 =	simm.s32 $0x7A80  }
0x15: {  	v0 =	vand.u32 $0x7, v2;
	v2 =	vor.u32 $0x8, v2;
	v1 =	vmul.u32 $0x8, v1;
	s23 =	simm.s32 $0x8280;
	s24 =	simm.s32 $0x8A80;
	s26 =	simm.s32 $0x9A80  }
.LBB2_1:
0x16: {  	s7 =	rddreg [dreg:$0x4]  }
0x17: {  	[tilespmem:s3], [sflag:$0x5] =	stream.linear.gather [hbm4b:s7+s3], $0x240, $0x38;
	[tilespmem:$0xC280] =	vst v63  }
0x18: {  	s7 =	simm.s32 $0x5  }
0x19: {  	_ =	swait.ge [sflag:s7], $0x240  }
0x1a: {  	[sflag:s7] =	ssyncset.done $0x0  }
0x1b: {  	[sflag:s7] =	ssyncadd.s32 $0xFFFFFDC0  }
0x1c: {  	v3 =	vld [tilespmem:$0x0];
	_ =	sdelay $0x4  }
0x1d: {  	v4 =	vshll.u32 v3, $0x1  }
0x1e: {  	v3 =	vand.u32 $0x7, v3;
	v4 =	vand.u32 $0xFFFFFFF0, v4  }
0x1f: {  	v3 =	vor.u32 v3, v4  }
0x20: {  	v4 =	vperm.xlane v3, v0;
	_ =	sdelay $0x1  }
0x21: {  	v3 =	vperm.xlane v3, v2;
	v4 =	vadd.s32 v1, v4;
	_ =	sdelay $0x1  }
0x22: {  	v3 =	vadd.s32 v1, v3;
	_ =	sdelay $0x2  }
0x23: {  	[tilespmem:s18], [sflag:$0x1] =	stream.indirect_vreg.gather [hbm4b:s1+s3], $0x80, v4, vm0, $0xb8;
	[tilespmem:$0xC280] =	vst v63  }
0x24: {  	_ = 	snop  }
0x25: {  	[tilespmem:s8], [sflag:$0x1] =	stream.indirect_vreg.gather [hbm4b:s1+s3], $0x80, v3, vm0, $0xb8;
	[tilespmem:$0xC280] =	vst v63  }
0x26: {  	v3 =	vld [tilespmem:$0x10];
	_ =	sdelay $0x4  }
0x27: {  	v29 =	vshll.u32 v3, $0x1  }
0x28: {  	v3 =	vand.u32 $0x7, v3;
	v4 =	vand.u32 $0xFFFFFFF0, v29  }
0x29: {  	v3 =	vor.u32 v3, v4  }
0x2a: {  	v4 =	vperm.xlane v3, v0;
	_ =	sdelay $0x1  }
0x2b: {  	v3 =	vperm.xlane v3, v2;
	v4 =	vadd.s32 v1, v4;
	_ =	sdelay $0x1  }
0x2c: {  	v3 =	vadd.s32 v1, v3;
	_ =	sdelay $0x2  }
0x2d: {  	[tilespmem:s9], [sflag:$0x1] =	stream.indirect_vreg.gather [hbm4b:s1+s3], $0x80, v4, vm0, $0xb8;
	[tilespmem:$0xC280] =	vst v63  }
0x2e: {  	_ = 	snop  }
0x2f: {  	[tilespmem:s10], [sflag:$0x1] =	stream.indirect_vreg.gather [hbm4b:s1+s3], $0x80, v3, vm0, $0xb8;
	[tilespmem:$0xC280] =	vst v63  }
0x30: {  	v3 =	vld [tilespmem:$0x20];
	_ =	sdelay $0x4  }
0x31: {  	v30 =	vshll.u32 v3, $0x1  }
0x32: {  	v3 =	vand.u32 $0x7, v3;
	v4 =	vand.u32 $0xFFFFFFF0, v30  }
0x33: {  	v3 =	vor.u32 v3, v4  }
0x34: {  	v4 =	vperm.xlane v3, v0;
	_ =	sdelay $0x1  }
0x35: {  	v3 =	vperm.xlane v3, v2;
	v4 =	vadd.s32 v1, v4;
	_ =	sdelay $0x1  }
0x36: {  	v3 =	vadd.s32 v1, v3;
	_ =	sdelay $0x2  }
0x37: {  	[tilespmem:s11], [sflag:$0x1] =	stream.indirect_vreg.gather [hbm4b:s1+s3], $0x80, v4, vm0, $0xb8;
	[tilespmem:$0xC280] =	vst v63  }
0x38: {  	_ = 	snop  }
0x39: {  	[tilespmem:s12], [sflag:$0x1] =	stream.indirect_vreg.gather [hbm4b:s1+s3], $0x80, v3, vm0, $0xb8;
	[tilespmem:$0xC280] =	vst v63  }
0x3a: {  	v3 =	vld [tilespmem:$0x30];
	_ =	sdelay $0x4  }
0x3b: {  	v31 =	vshll.u32 v3, $0x1  }
0x3c: {  	v3 =	vand.u32 $0x7, v3;
	v4 =	vand.u32 $0xFFFFFFF0, v31  }
0x3d: {  	v3 =	vor.u32 v3, v4  }
0x3e: {  	v4 =	vperm.xlane v3, v0;
	_ =	sdelay $0x1  }
0x3f: {  	v3 =	vperm.xlane v3, v2;
	v4 =	vadd.s32 v1, v4;
	_ =	sdelay $0x1  }
0x40: {  	v3 =	vadd.s32 v1, v3;
	_ =	sdelay $0x2  }
0x41: {  	[tilespmem:s13], [sflag:$0x1] =	stream.indirect_vreg.gather [hbm4b:s1+s3], $0x80, v4, vm0, $0xb8;
	[tilespmem:$0xC280] =	vst v63  }
0x42: {  	_ = 	snop  }
0x43: {  	[tilespmem:s14], [sflag:$0x1] =	stream.indirect_vreg.gather [hbm4b:s1+s3], $0x80, v3, vm0, $0xb8;
	[tilespmem:$0xC280] =	vst v63  }
0x44: {  	v3 =	vld [tilespmem:$0x40];
	_ =	sdelay $0x4  }
0x45: {  	v32 =	vshll.u32 v3, $0x1  }
0x46: {  	v3 =	vand.u32 $0x7, v3;
	v4 =	vand.u32 $0xFFFFFFF0, v32  }
0x47: {  	v3 =	vor.u32 v3, v4  }
0x48: {  	v4 =	vperm.xlane v3, v0;
	_ =	sdelay $0x1  }
0x49: {  	v3 =	vperm.xlane v3, v2;
	v4 =	vadd.s32 v1, v4;
	_ =	sdelay $0x1  }
0x4a: {  	v3 =	vadd.s32 v1, v3;
	_ =	sdelay $0x2  }
0x4b: {  	[tilespmem:s15], [sflag:$0x1] =	stream.indirect_vreg.gather [hbm4b:s1+s3], $0x80, v4, vm0, $0xb8;
	[tilespmem:$0xC280] =	vst v63  }
0x4c: {  	_ = 	snop  }
0x4d: {  	[tilespmem:s16], [sflag:$0x1] =	stream.indirect_vreg.gather [hbm4b:s1+s3], $0x80, v3, vm0, $0xb8;
	[tilespmem:$0xC280] =	vst v63  }
0x4e: {  	v3 =	vld [tilespmem:$0x50];
	_ =	sdelay $0x4  }
0x4f: {  	v33 =	vshll.u32 v3, $0x1  }
0x50: {  	v3 =	vand.u32 $0x7, v3;
	v4 =	vand.u32 $0xFFFFFFF0, v33  }
0x51: {  	v3 =	vor.u32 v3, v4  }
0x52: {  	v4 =	vperm.xlane v3, v0;
	_ =	sdelay $0x1  }
0x53: {  	v3 =	vperm.xlane v3, v2;
	v4 =	vadd.s32 v1, v4;
	_ =	sdelay $0x1  }
0x54: {  	v3 =	vadd.s32 v1, v3;
	_ =	sdelay $0x2  }
0x55: {  	[tilespmem:s17], [sflag:$0x1] =	stream.indirect_vreg.gather [hbm4b:s1+s3], $0x80, v4, vm0, $0xb8;
	[tilespmem:$0xC280] =	vst v63  }
0x56: {  	_ = 	snop  }
0x57: {  	[tilespmem:s19], [sflag:$0x1] =	stream.indirect_vreg.gather [hbm4b:s1+s3], $0x80, v3, vm0, $0xb8;
	[tilespmem:$0xC280] =	vst v63  }
0x58: {  	v3 =	vld [tilespmem:$0x60];
	_ =	sdelay $0x4  }
0x59: {  	v34 =	vshll.u32 v3, $0x1  }
0x5a: {  	v3 =	vand.u32 $0x7, v3;
	v4 =	vand.u32 $0xFFFFFFF0, v34  }
0x5b: {  	v3 =	vor.u32 v3, v4  }
0x5c: {  	v4 =	vperm.xlane v3, v0;
	_ =	sdelay $0x1  }
0x5d: {  	v3 =	vperm.xlane v3, v2;
	v4 =	vadd.s32 v1, v4;
	_ =	sdelay $0x1  }
0x5e: {  	v3 =	vadd.s32 v1, v3;
	_ =	sdelay $0x2  }
0x5f: {  	[tilespmem:s6], [sflag:$0x2] =	stream.indirect_vreg.gather [hbm4b:s1+s3], $0x80, v4, vm0, $0xb8;
	[tilespmem:$0xC280] =	vst v63  }
0x60: {  	_ = 	snop  }
0x61: {  	[tilespmem:s20], [sflag:$0x2] =	stream.indirect_vreg.gather [hbm4b:s1+s3], $0x80, v3, vm0, $0xb8;
	[tilespmem:$0xC280] =	vst v63  }
0x62: {  	v3 =	vld [tilespmem:$0x70];
	_ =	sdelay $0x4  }
0x63: {  	v35 =	vshll.u32 v3, $0x1  }
0x64: {  	v3 =	vand.u32 $0x7, v3;
	v4 =	vand.u32 $0xFFFFFFF0, v35  }
0x65: {  	v3 =	vor.u32 v3, v4  }
0x66: {  	v4 =	vperm.xlane v3, v0;
	_ =	sdelay $0x1  }
0x67: {  	v3 =	vperm.xlane v3, v2;
	v4 =	vadd.s32 v1, v4;
	_ =	sdelay $0x1  }
0x68: {  	v3 =	vadd.s32 v1, v3;
	_ =	sdelay $0x2  }
0x69: {  	[tilespmem:s21], [sflag:$0x2] =	stream.indirect_vreg.gather [hbm4b:s1+s3], $0x80, v4, vm0, $0xb8;
	[tilespmem:$0xC280] =	vst v63  }
0x6a: {  	_ = 	snop  }
0x6b: {  	[tilespmem:s22], [sflag:$0x2] =	stream.indirect_vreg.gather [hbm4b:s1+s3], $0x80, v3, vm0, $0xb8;
	[tilespmem:$0xC280] =	vst v63  }
0x6c: {  	v3 =	vld [tilespmem:$0x80];
	_ =	sdelay $0x4  }
0x6d: {  	v36 =	vshll.u32 v3, $0x1  }
0x6e: {  	v3 =	vand.u32 $0x7, v3;
	v4 =	vand.u32 $0xFFFFFFF0, v36  }
0x6f: {  	v3 =	vor.u32 v3, v4  }
0x70: {  	v4 =	vperm.xlane v3, v0;
	_ =	sdelay $0x1  }
0x71: {  	v3 =	vperm.xlane v3, v2;
	v4 =	vadd.s32 v1, v4;
	_ =	sdelay $0x1  }
0x72: {  	v3 =	vadd.s32 v1, v3;
	_ =	sdelay $0x2  }
0x73: {  	[tilespmem:s23], [sflag:$0x2] =	stream.indirect_vreg.gather [hbm4b:s1+s3], $0x80, v4, vm0, $0xb8;
	[tilespmem:$0xC280] =	vst v63  }
0x74: {  	_ = 	snop  }
0x75: {  	[tilespmem:s24], [sflag:$0x2] =	stream.indirect_vreg.gather [hbm4b:s1+s3], $0x80, v3, vm0, $0xb8;
	[tilespmem:$0xC280] =	vst v63  }
0x76: {  	v3 =	vld [tilespmem:$0x90];
	_ =	sdelay $0x4  }
0x77: {  	v37 =	vshll.u32 v3, $0x1  }
0x78: {  	v3 =	vand.u32 $0x7, v3;
	v4 =	vand.u32 $0xFFFFFFF0, v37  }
0x79: {  	v3 =	vor.u32 v3, v4  }
0x7a: {  	v4 =	vperm.xlane v3, v0;
	_ =	sdelay $0x1  }
0x7b: {  	v3 =	vperm.xlane v3, v2;
	v4 =	vadd.s32 v1, v4;
	_ =	sdelay $0x1  }
0x7c: {  	v3 =	vadd.s32 v1, v3;
	_ =	sdelay $0x2  }
0x7d: {  	[tilespmem:s25], [sflag:$0x2] =	stream.indirect_vreg.gather [hbm4b:s1+s3], $0x80, v4, vm0, $0xb8;
	[tilespmem:$0xC280] =	vst v63  }
0x7e: {  	_ = 	snop  }
0x7f: {  	[tilespmem:s26], [sflag:$0x2] =	stream.indirect_vreg.gather [hbm4b:s1+s3], $0x80, v3, vm0, $0xb8;
	[tilespmem:$0xC280] =	vst v63  }
0x80: {  	v3 =	vld [tilespmem:$0xA0];
	_ =	sdelay $0x4  }
0x81: {  	v38 =	vshll.u32 v3, $0x1  }
0x82: {  	v3 =	vand.u32 $0x7, v3;
	v4 =	vand.u32 $0xFFFFFFF0, v38  }
0x83: {  	v3 =	vor.u32 v3, v4  }
0x84: {  	v4 =	vperm.xlane v3, v0;
	_ =	sdelay $0x1  }
0x85: {  	v3 =	vperm.xlane v3, v2;
	v4 =	vadd.s32 v1, v4;
	_ =	sdelay $0x1  }
0x86: {  	v3 =	vadd.s32 v1, v3;
	_ =	sdelay $0x2  }
0x87: {  	[tilespmem:s28], [sflag:$0x2] =	stream.indirect_vreg.gather [hbm4b:s1+s3], $0x80, v4, vm0, $0xb8;
	[tilespmem:$0xC280] =	vst v63  }
0x88: {  	_ = 	snop  }
0x89: {  	[tilespmem:s29], [sflag:$0x2] =	stream.indirect_vreg.gather [hbm4b:s1+s3], $0x80, v3, vm0, $0xb8;
	[tilespmem:$0xC280] =	vst v63  }
0x8a: {  	v3 =	vld [tilespmem:$0xB0];
	_ =	sdelay $0x4  }
0x8b: {  	v39 =	vshll.u32 v3, $0x1  }
0x8c: {  	v3 =	vand.u32 $0x7, v3;
	v4 =	vand.u32 $0xFFFFFFF0, v39  }
0x8d: {  	v3 =	vor.u32 v3, v4  }
0x8e: {  	v4 =	vperm.xlane v3, v0;
	_ =	sdelay $0x1  }
0x8f: {  	v3 =	vperm.xlane v3, v2;
	v4 =	vadd.s32 v1, v4;
	_ =	sdelay $0x1  }
0x90: {  	v3 =	vadd.s32 v1, v3;
	_ =	sdelay $0x2  }
0x91: {  	[tilespmem:s30], [sflag:$0x2] =	stream.indirect_vreg.gather [hbm4b:s1+s3], $0x80, v4, vm0, $0xb8;
	[tilespmem:$0xC280] =	vst v63  }
0x92: {  	s7 =	simm.s32 $0xBA80  }
0x93: {  	[tilespmem:s7], [sflag:$0x2] =	stream.indirect_vreg.gather [hbm4b:s1+s3], $0x80, v3, vm0, $0xb8;
	[tilespmem:$0xC280] =	vst v63  }
0x94: {  	_ =	swait.ge [sflag:s31], $0x6000  }
0x95: {  	[sflag:s31] =	ssyncset.done $0x0  }
0x96: {  	s7 =	rddreg [dreg:$0x5];
	[sflag:s31] =	ssyncadd.s32 $0xFFFFA000  }
0x97: {  	[hbm4b:s7+s3] =	stream.linear.scatter [tilespmem:s18], [sflag:$0x3], $0x6000, $0x38;
	[tilespmem:$0xC280] =	vst v63  }
0x98: {  	_ =	swait.ge [sflag:s2], $0x6000  }
0x99: {  	[sflag:s2] =	ssyncset.done $0x0  }
0x9a: {  	[sflag:s2] =	ssyncadd.s32 $0xFFFFA000  }
0x9b: {  	v3 =	vld [tilespmem:$0xC0];
	_ =	sdelay $0x4  }
0x9c: {  	v40 =	vshll.u32 v3, $0x1  }
0x9d: {  	v3 =	vand.u32 $0x7, v3;
	v4 =	vand.u32 $0xFFFFFFF0, v40  }
0x9e: {  	v3 =	vor.u32 v3, v4  }
0x9f: {  	v4 =	vperm.xlane v3, v0;
	_ =	sdelay $0x1  }
0xa0: {  	v3 =	vperm.xlane v3, v2;
	v4 =	vadd.s32 v1, v4;
	_ =	sdelay $0x1  }
0xa1: {  	v3 =	vadd.s32 v1, v3;
	_ =	sdelay $0x2  }
0xa2: {  	[tilespmem:s18], [sflag:$0x1] =	stream.indirect_vreg.gather [hbm4b:s1+s3], $0x80, v4, vm0, $0xb8;
	[tilespmem:$0xC280] =	vst v63  }
0xa3: {  	_ = 	snop  }
0xa4: {  	[tilespmem:s8], [sflag:$0x1] =	stream.indirect_vreg.gather [hbm4b:s1+s3], $0x80, v3, vm0, $0xb8;
	[tilespmem:$0xC280] =	vst v63  }
0xa5: {  	v3 =	vld [tilespmem:$0xD0];
	_ =	sdelay $0x4  }
0xa6: {  	v41 =	vshll.u32 v3, $0x1  }
0xa7: {  	v3 =	vand.u32 $0x7, v3;
	v4 =	vand.u32 $0xFFFFFFF0, v41  }
0xa8: {  	v3 =	vor.u32 v3, v4  }
0xa9: {  	v4 =	vperm.xlane v3, v0;
	_ =	sdelay $0x1  }
0xaa: {  	v3 =	vperm.xlane v3, v2;
	v4 =	vadd.s32 v1, v4;
	_ =	sdelay $0x1  }
0xab: {  	v3 =	vadd.s32 v1, v3;
	_ =	sdelay $0x2  }
0xac: {  	[tilespmem:s9], [sflag:$0x1] =	stream.indirect_vreg.gather [hbm4b:s1+s3], $0x80, v4, vm0, $0xb8;
	[tilespmem:$0xC280] =	vst v63  }
0xad: {  	_ = 	snop  }
0xae: {  	[tilespmem:s10], [sflag:$0x1] =	stream.indirect_vreg.gather [hbm4b:s1+s3], $0x80, v3, vm0, $0xb8;
	[tilespmem:$0xC280] =	vst v63  }
0xaf: {  	v3 =	vld [tilespmem:$0xE0];
	_ =	sdelay $0x4  }
0xb0: {  	v42 =	vshll.u32 v3, $0x1  }
0xb1: {  	v3 =	vand.u32 $0x7, v3;
	v4 =	vand.u32 $0xFFFFFFF0, v42  }
0xb2: {  	v3 =	vor.u32 v3, v4  }
0xb3: {  	v4 =	vperm.xlane v3, v0;
	_ =	sdelay $0x1  }
0xb4: {  	v3 =	vperm.xlane v3, v2;
	v4 =	vadd.s32 v1, v4;
	_ =	sdelay $0x1  }
0xb5: {  	v3 =	vadd.s32 v1, v3;
	_ =	sdelay $0x2  }
0xb6: {  	[tilespmem:s11], [sflag:$0x1] =	stream.indirect_vreg.gather [hbm4b:s1+s3], $0x80, v4, vm0, $0xb8;
	[tilespmem:$0xC280] =	vst v63  }
0xb7: {  	_ = 	snop  }
0xb8: {  	[tilespmem:s12], [sflag:$0x1] =	stream.indirect_vreg.gather [hbm4b:s1+s3], $0x80, v3, vm0, $0xb8;
	[tilespmem:$0xC280] =	vst v63  }
0xb9: {  	v3 =	vld [tilespmem:$0xF0];
	_ =	sdelay $0x4  }
0xba: {  	v43 =	vshll.u32 v3, $0x1  }
0xbb: {  	v3 =	vand.u32 $0x7, v3;
	v4 =	vand.u32 $0xFFFFFFF0, v43  }
0xbc: {  	v3 =	vor.u32 v3, v4  }
0xbd: {  	v4 =	vperm.xlane v3, v0;
	_ =	sdelay $0x1  }
0xbe: {  	v3 =	vperm.xlane v3, v2;
	v4 =	vadd.s32 v1, v4;
	_ =	sdelay $0x1  }
0xbf: {  	v3 =	vadd.s32 v1, v3;
	_ =	sdelay $0x2  }
0xc0: {  	[tilespmem:s13], [sflag:$0x1] =	stream.indirect_vreg.gather [hbm4b:s1+s3], $0x80, v4, vm0, $0xb8;
	[tilespmem:$0xC280] =	vst v63  }
0xc1: {  	_ = 	snop  }
0xc2: {  	[tilespmem:s14], [sflag:$0x1] =	stream.indirect_vreg.gather [hbm4b:s1+s3], $0x80, v3, vm0, $0xb8;
	[tilespmem:$0xC280] =	vst v63  }
0xc3: {  	v3 =	vld [tilespmem:$0x100];
	_ =	sdelay $0x4  }
0xc4: {  	v44 =	vshll.u32 v3, $0x1  }
0xc5: {  	v3 =	vand.u32 $0x7, v3;
	v4 =	vand.u32 $0xFFFFFFF0, v44  }
0xc6: {  	v3 =	vor.u32 v3, v4  }
0xc7: {  	v4 =	vperm.xlane v3, v0;
	_ =	sdelay $0x1  }
0xc8: {  	v3 =	vperm.xlane v3, v2;
	v4 =	vadd.s32 v1, v4;
	_ =	sdelay $0x1  }
0xc9: {  	v3 =	vadd.s32 v1, v3;
	_ =	sdelay $0x2  }
0xca: {  	[tilespmem:s15], [sflag:$0x1] =	stream.indirect_vreg.gather [hbm4b:s1+s3], $0x80, v4, vm0, $0xb8;
	[tilespmem:$0xC280] =	vst v63  }
0xcb: {  	_ = 	snop  }
0xcc: {  	[tilespmem:s16], [sflag:$0x1] =	stream.indirect_vreg.gather [hbm4b:s1+s3], $0x80, v3, vm0, $0xb8;
	[tilespmem:$0xC280] =	vst v63  }
0xcd: {  	v3 =	vld [tilespmem:$0x110];
	_ =	sdelay $0x4  }
0xce: {  	v45 =	vshll.u32 v3, $0x1  }
0xcf: {  	v3 =	vand.u32 $0x7, v3;
	v4 =	vand.u32 $0xFFFFFFF0, v45  }
0xd0: {  	v3 =	vor.u32 v3, v4  }
0xd1: {  	v4 =	vperm.xlane v3, v0;
	_ =	sdelay $0x1  }
0xd2: {  	v3 =	vperm.xlane v3, v2;
	v4 =	vadd.s32 v1, v4;
	_ =	sdelay $0x1  }
0xd3: {  	v3 =	vadd.s32 v1, v3;
	_ =	sdelay $0x2  }
0xd4: {  	[tilespmem:s17], [sflag:$0x1] =	stream.indirect_vreg.gather [hbm4b:s1+s3], $0x80, v4, vm0, $0xb8;
	[tilespmem:$0xC280] =	vst v63  }
0xd5: {  	_ = 	snop  }
0xd6: {  	[tilespmem:s19], [sflag:$0x1] =	stream.indirect_vreg.gather [hbm4b:s1+s3], $0x80, v3, vm0, $0xb8;
	[tilespmem:$0xC280] =	vst v63  }
0xd7: {  	_ =	swait.ge [sflag:s0], $0x6000  }
0xd8: {  	[sflag:s0] =	ssyncset.done $0x0  }
0xd9: {  	s7 =	rddreg [dreg:$0x6];
	[sflag:s0] =	ssyncadd.s32 $0xFFFFA000  }
0xda: {  	[hbm4b:s7+s3] =	stream.linear.scatter [tilespmem:s6], [sflag:$0x4], $0x6000, $0x38;
	[tilespmem:$0xC280] =	vst v63  }
0xdb: {  	_ =	swait.ge [sflag:s5], $0x6000  }
0xdc: {  	[sflag:s5] =	ssyncset.done $0x0  }
0xdd: {  	[sflag:s5] =	ssyncadd.s32 $0xFFFFA000  }
0xde: {  	v3 =	vld [tilespmem:$0x120];
	_ =	sdelay $0x4  }
0xdf: {  	v46 =	vshll.u32 v3, $0x1  }
0xe0: {  	v3 =	vand.u32 $0x7, v3;
	v4 =	vand.u32 $0xFFFFFFF0, v46  }
0xe1: {  	v3 =	vor.u32 v3, v4  }
0xe2: {  	v4 =	vperm.xlane v3, v0;
	_ =	sdelay $0x1  }
0xe3: {  	v3 =	vperm.xlane v3, v2;
	v4 =	vadd.s32 v1, v4;
	_ =	sdelay $0x1  }
0xe4: {  	v3 =	vadd.s32 v1, v3;
	_ =	sdelay $0x2  }
0xe5: {  	[tilespmem:s6], [sflag:$0x2] =	stream.indirect_vreg.gather [hbm4b:s1+s3], $0x80, v4, vm0, $0xb8;
	[tilespmem:$0xC280] =	vst v63  }
0xe6: {  	_ = 	snop  }
0xe7: {  	[tilespmem:s20], [sflag:$0x2] =	stream.indirect_vreg.gather [hbm4b:s1+s3], $0x80, v3, vm0, $0xb8;
	[tilespmem:$0xC280] =	vst v63  }
0xe8: {  	v3 =	vld [tilespmem:$0x130];
	_ =	sdelay $0x4  }
0xe9: {  	v47 =	vshll.u32 v3, $0x1  }
0xea: {  	v3 =	vand.u32 $0x7, v3;
	v4 =	vand.u32 $0xFFFFFFF0, v47  }
0xeb: {  	v3 =	vor.u32 v3, v4  }
0xec: {  	v4 =	vperm.xlane v3, v0;
	_ =	sdelay $0x1  }
0xed: {  	v3 =	vperm.xlane v3, v2;
	v4 =	vadd.s32 v1, v4;
	_ =	sdelay $0x1  }
0xee: {  	v3 =	vadd.s32 v1, v3;
	_ =	sdelay $0x2  }
0xef: {  	[tilespmem:s21], [sflag:$0x2] =	stream.indirect_vreg.gather [hbm4b:s1+s3], $0x80, v4, vm0, $0xb8;
	[tilespmem:$0xC280] =	vst v63  }
0xf0: {  	_ = 	snop  }
0xf1: {  	[tilespmem:s22], [sflag:$0x2] =	stream.indirect_vreg.gather [hbm4b:s1+s3], $0x80, v3, vm0, $0xb8;
	[tilespmem:$0xC280] =	vst v63  }
0xf2: {  	v3 =	vld [tilespmem:$0x140];
	_ =	sdelay $0x4  }
0xf3: {  	v48 =	vshll.u32 v3, $0x1  }
0xf4: {  	v3 =	vand.u32 $0x7, v3;
	v4 =	vand.u32 $0xFFFFFFF0, v48  }
0xf5: {  	v3 =	vor.u32 v3, v4  }
0xf6: {  	v4 =	vperm.xlane v3, v0;
	_ =	sdelay $0x1  }
0xf7: {  	v3 =	vperm.xlane v3, v2;
	v4 =	vadd.s32 v1, v4;
	_ =	sdelay $0x1  }
0xf8: {  	v3 =	vadd.s32 v1, v3;
	_ =	sdelay $0x2  }
0xf9: {  	[tilespmem:s23], [sflag:$0x2] =	stream.indirect_vreg.gather [hbm4b:s1+s3], $0x80, v4, vm0, $0xb8;
	[tilespmem:$0xC280] =	vst v63  }
0xfa: {  	_ = 	snop  }
0xfb: {  	[tilespmem:s24], [sflag:$0x2] =	stream.indirect_vreg.gather [hbm4b:s1+s3], $0x80, v3, vm0, $0xb8;
	[tilespmem:$0xC280] =	vst v63  }
0xfc: {  	v3 =	vld [tilespmem:$0x150];
	_ =	sdelay $0x4  }
0xfd: {  	v49 =	vshll.u32 v3, $0x1  }
0xfe: {  	v3 =	vand.u32 $0x7, v3;
	v4 =	vand.u32 $0xFFFFFFF0, v49  }
0xff: {  	v3 =	vor.u32 v3, v4  }
0x100: {  	v4 =	vperm.xlane v3, v0;
	_ =	sdelay $0x1  }
0x101: {  	v3 =	vperm.xlane v3, v2;
	v4 =	vadd.s32 v1, v4;
	_ =	sdelay $0x1  }
0x102: {  	v3 =	vadd.s32 v1, v3;
	_ =	sdelay $0x2  }
0x103: {  	[tilespmem:s25], [sflag:$0x2] =	stream.indirect_vreg.gather [hbm4b:s1+s3], $0x80, v4, vm0, $0xb8;
	[tilespmem:$0xC280] =	vst v63  }
0x104: {  	_ = 	snop  }
0x105: {  	[tilespmem:s26], [sflag:$0x2] =	stream.indirect_vreg.gather [hbm4b:s1+s3], $0x80, v3, vm0, $0xb8;
	[tilespmem:$0xC280] =	vst v63  }
0x106: {  	v3 =	vld [tilespmem:$0x160];
	_ =	sdelay $0x4  }
0x107: {  	v50 =	vshll.u32 v3, $0x1  }
0x108: {  	v3 =	vand.u32 $0x7, v3;
	v4 =	vand.u32 $0xFFFFFFF0, v50  }
0x109: {  	v3 =	vor.u32 v3, v4  }
0x10a: {  	v4 =	vperm.xlane v3, v0;
	_ =	sdelay $0x1  }
0x10b: {  	v3 =	vperm.xlane v3, v2;
	v4 =	vadd.s32 v1, v4;
	_ =	sdelay $0x1  }
0x10c: {  	v3 =	vadd.s32 v1, v3;
	_ =	sdelay $0x2  }
0x10d: {  	[tilespmem:s28], [sflag:$0x2] =	stream.indirect_vreg.gather [hbm4b:s1+s3], $0x80, v4, vm0, $0xb8;
	[tilespmem:$0xC280] =	vst v63  }
0x10e: {  	_ = 	snop  }
0x10f: {  	[tilespmem:s29], [sflag:$0x2] =	stream.indirect_vreg.gather [hbm4b:s1+s3], $0x80, v3, vm0, $0xb8;
	[tilespmem:$0xC280] =	vst v63  }
0x110: {  	v3 =	vld [tilespmem:$0x170];
	_ =	sdelay $0x4  }
0x111: {  	v51 =	vshll.u32 v3, $0x1  }
0x112: {  	v3 =	vand.u32 $0x7, v3;
	v4 =	vand.u32 $0xFFFFFFF0, v51  }
0x113: {  	v3 =	vor.u32 v3, v4  }
0x114: {  	v4 =	vperm.xlane v3, v0;
	_ =	sdelay $0x1  }
0x115: {  	v3 =	vperm.xlane v3, v2;
	v4 =	vadd.s32 v1, v4;
	_ =	sdelay $0x1  }
0x116: {  	v3 =	vadd.s32 v1, v3;
	_ =	sdelay $0x2  }
0x117: {  	[tilespmem:s30], [sflag:$0x2] =	stream.indirect_vreg.gather [hbm4b:s1+s3], $0x80, v4, vm0, $0xb8;
	[tilespmem:$0xC280] =	vst v63  }
0x118: {  	s7 =	simm.s32 $0xBA80  }
0x119: {  	[tilespmem:s7], [sflag:$0x2] =	stream.indirect_vreg.gather [hbm4b:s1+s3], $0x80, v3, vm0, $0xb8;
	[tilespmem:$0xC280] =	vst v63  }
0x11a: {  	_ =	swait.ge [sflag:s31], $0x6000  }
0x11b: {  	[sflag:s31] =	ssyncset.done $0x0  }
0x11c: {  	s7 =	rddreg [dreg:$0x7];
	[sflag:s31] =	ssyncadd.s32 $0xFFFFA000  }
0x11d: {  	[hbm4b:s7+s3] =	stream.linear.scatter [tilespmem:s18], [sflag:$0x3], $0x6000, $0x38;
	[tilespmem:$0xC280] =	vst v63  }
0x11e: {  	_ =	swait.ge [sflag:s2], $0x6000  }
0x11f: {  	[sflag:s2] =	ssyncset.done $0x0  }
0x120: {  	[sflag:s2] =	ssyncadd.s32 $0xFFFFA000  }
0x121: {  	v3 =	vld [tilespmem:$0x180];
	_ =	sdelay $0x4  }
0x122: {  	v52 =	vshll.u32 v3, $0x1  }
0x123: {  	v3 =	vand.u32 $0x7, v3;
	v4 =	vand.u32 $0xFFFFFFF0, v52  }
0x124: {  	v3 =	vor.u32 v3, v4  }
0x125: {  	v4 =	vperm.xlane v3, v0;
	_ =	sdelay $0x1  }
0x126: {  	v3 =	vperm.xlane v3, v2;
	v4 =	vadd.s32 v1, v4;
	_ =	sdelay $0x1  }
0x127: {  	v3 =	vadd.s32 v1, v3;
	_ =	sdelay $0x2  }
0x128: {  	[tilespmem:s18], [sflag:$0x1] =	stream.indirect_vreg.gather [hbm4b:s1+s3], $0x80, v4, vm0, $0xb8;
	[tilespmem:$0xC280] =	vst v63  }
0x129: {  	_ = 	snop  }
0x12a: {  	[tilespmem:s8], [sflag:$0x1] =	stream.indirect_vreg.gather [hbm4b:s1+s3], $0x80, v3, vm0, $0xb8;
	[tilespmem:$0xC280] =	vst v63  }
0x12b: {  	v3 =	vld [tilespmem:$0x190];
	_ =	sdelay $0x4  }
0x12c: {  	v53 =	vshll.u32 v3, $0x1  }
0x12d: {  	v3 =	vand.u32 $0x7, v3;
	v4 =	vand.u32 $0xFFFFFFF0, v53  }
0x12e: {  	v3 =	vor.u32 v3, v4  }
0x12f: {  	v4 =	vperm.xlane v3, v0;
	_ =	sdelay $0x1  }
0x130: {  	v3 =	vperm.xlane v3, v2;
	v4 =	vadd.s32 v1, v4;
	_ =	sdelay $0x1  }
0x131: {  	v3 =	vadd.s32 v1, v3;
	_ =	sdelay $0x2  }
0x132: {  	[tilespmem:s9], [sflag:$0x1] =	stream.indirect_vreg.gather [hbm4b:s1+s3], $0x80, v4, vm0, $0xb8;
	[tilespmem:$0xC280] =	vst v63  }
0x133: {  	_ = 	snop  }
0x134: {  	[tilespmem:s10], [sflag:$0x1] =	stream.indirect_vreg.gather [hbm4b:s1+s3], $0x80, v3, vm0, $0xb8;
	[tilespmem:$0xC280] =	vst v63  }
0x135: {  	v3 =	vld [tilespmem:$0x1A0];
	_ =	sdelay $0x4  }
0x136: {  	v54 =	vshll.u32 v3, $0x1  }
0x137: {  	v3 =	vand.u32 $0x7, v3;
	v4 =	vand.u32 $0xFFFFFFF0, v54  }
0x138: {  	v3 =	vor.u32 v3, v4  }
0x139: {  	v4 =	vperm.xlane v3, v0;
	_ =	sdelay $0x1  }
0x13a: {  	v3 =	vperm.xlane v3, v2;
	v4 =	vadd.s32 v1, v4;
	_ =	sdelay $0x1  }
0x13b: {  	v3 =	vadd.s32 v1, v3;
	_ =	sdelay $0x2  }
0x13c: {  	[tilespmem:s11], [sflag:$0x1] =	stream.indirect_vreg.gather [hbm4b:s1+s3], $0x80, v4, vm0, $0xb8;
	[tilespmem:$0xC280] =	vst v63  }
0x13d: {  	_ = 	snop  }
0x13e: {  	[tilespmem:s12], [sflag:$0x1] =	stream.indirect_vreg.gather [hbm4b:s1+s3], $0x80, v3, vm0, $0xb8;
	[tilespmem:$0xC280] =	vst v63  }
0x13f: {  	v3 =	vld [tilespmem:$0x1B0];
	_ =	sdelay $0x4  }
0x140: {  	v55 =	vshll.u32 v3, $0x1  }
0x141: {  	v3 =	vand.u32 $0x7, v3;
	v4 =	vand.u32 $0xFFFFFFF0, v55  }
0x142: {  	v3 =	vor.u32 v3, v4  }
0x143: {  	v4 =	vperm.xlane v3, v0;
	_ =	sdelay $0x1  }
0x144: {  	v3 =	vperm.xlane v3, v2;
	v4 =	vadd.s32 v1, v4;
	_ =	sdelay $0x1  }
0x145: {  	v3 =	vadd.s32 v1, v3;
	_ =	sdelay $0x2  }
0x146: {  	[tilespmem:s13], [sflag:$0x1] =	stream.indirect_vreg.gather [hbm4b:s1+s3], $0x80, v4, vm0, $0xb8;
	[tilespmem:$0xC280] =	vst v63  }
0x147: {  	_ = 	snop  }
0x148: {  	[tilespmem:s14], [sflag:$0x1] =	stream.indirect_vreg.gather [hbm4b:s1+s3], $0x80, v3, vm0, $0xb8;
	[tilespmem:$0xC280] =	vst v63  }
0x149: {  	v3 =	vld [tilespmem:$0x1C0];
	_ =	sdelay $0x4  }
0x14a: {  	v56 =	vshll.u32 v3, $0x1  }
0x14b: {  	v3 =	vand.u32 $0x7, v3;
	v4 =	vand.u32 $0xFFFFFFF0, v56  }
0x14c: {  	v3 =	vor.u32 v3, v4  }
0x14d: {  	v4 =	vperm.xlane v3, v0;
	_ =	sdelay $0x1  }
0x14e: {  	v3 =	vperm.xlane v3, v2;
	v4 =	vadd.s32 v1, v4;
	_ =	sdelay $0x1  }
0x14f: {  	v3 =	vadd.s32 v1, v3;
	_ =	sdelay $0x2  }
0x150: {  	[tilespmem:s15], [sflag:$0x1] =	stream.indirect_vreg.gather [hbm4b:s1+s3], $0x80, v4, vm0, $0xb8;
	[tilespmem:$0xC280] =	vst v63  }
0x151: {  	_ = 	snop  }
0x152: {  	[tilespmem:s16], [sflag:$0x1] =	stream.indirect_vreg.gather [hbm4b:s1+s3], $0x80, v3, vm0, $0xb8;
	[tilespmem:$0xC280] =	vst v63  }
0x153: {  	v3 =	vld [tilespmem:$0x1D0];
	_ =	sdelay $0x4  }
0x154: {  	v57 =	vshll.u32 v3, $0x1  }
0x155: {  	v3 =	vand.u32 $0x7, v3;
	v4 =	vand.u32 $0xFFFFFFF0, v57  }
0x156: {  	v3 =	vor.u32 v3, v4  }
0x157: {  	v4 =	vperm.xlane v3, v0;
	_ =	sdelay $0x1  }
0x158: {  	v3 =	vperm.xlane v3, v2;
	v4 =	vadd.s32 v1, v4;
	_ =	sdelay $0x1  }
0x159: {  	v3 =	vadd.s32 v1, v3;
	_ =	sdelay $0x2  }
0x15a: {  	[tilespmem:s17], [sflag:$0x1] =	stream.indirect_vreg.gather [hbm4b:s1+s3], $0x80, v4, vm0, $0xb8;
	[tilespmem:$0xC280] =	vst v63  }
0x15b: {  	_ = 	snop  }
0x15c: {  	[tilespmem:s19], [sflag:$0x1] =	stream.indirect_vreg.gather [hbm4b:s1+s3], $0x80, v3, vm0, $0xb8;
	[tilespmem:$0xC280] =	vst v63  }
0x15d: {  	_ =	swait.ge [sflag:s0], $0x6000  }
0x15e: {  	[sflag:s0] =	ssyncset.done $0x0  }
0x15f: {  	s7 =	rddreg [dreg:$0x8];
	[sflag:s0] =	ssyncadd.s32 $0xFFFFA000  }
0x160: {  	[hbm4b:s7+s3] =	stream.linear.scatter [tilespmem:s6], [sflag:$0x4], $0x6000, $0x38;
	[tilespmem:$0xC280] =	vst v63  }
0x161: {  	_ =	swait.ge [sflag:s5], $0x6000  }
0x162: {  	[sflag:s5] =	ssyncset.done $0x0  }
0x163: {  	[sflag:s5] =	ssyncadd.s32 $0xFFFFA000  }
0x164: {  	v3 =	vld [tilespmem:$0x1E0];
	_ =	sdelay $0x4  }
0x165: {  	v58 =	vshll.u32 v3, $0x1  }
0x166: {  	v3 =	vand.u32 $0x7, v3;
	v4 =	vand.u32 $0xFFFFFFF0, v58  }
0x167: {  	v3 =	vor.u32 v3, v4  }
0x168: {  	v4 =	vperm.xlane v3, v0;
	_ =	sdelay $0x1  }
0x169: {  	v3 =	vperm.xlane v3, v2;
	v4 =	vadd.s32 v1, v4;
	_ =	sdelay $0x1  }
0x16a: {  	v3 =	vadd.s32 v1, v3;
	_ =	sdelay $0x2  }
0x16b: {  	[tilespmem:s6], [sflag:$0x2] =	stream.indirect_vreg.gather [hbm4b:s1+s3], $0x80, v4, vm0, $0xb8;
	[tilespmem:$0xC280] =	vst v63  }
0x16c: {  	_ = 	snop  }
0x16d: {  	[tilespmem:s20], [sflag:$0x2] =	stream.indirect_vreg.gather [hbm4b:s1+s3], $0x80, v3, vm0, $0xb8;
	[tilespmem:$0xC280] =	vst v63  }
0x16e: {  	v3 =	vld [tilespmem:$0x1F0];
	_ =	sdelay $0x4  }
0x16f: {  	v59 =	vshll.u32 v3, $0x1  }
0x170: {  	v3 =	vand.u32 $0x7, v3;
	v4 =	vand.u32 $0xFFFFFFF0, v59  }
0x171: {  	v3 =	vor.u32 v3, v4  }
0x172: {  	v4 =	vperm.xlane v3, v0;
	_ =	sdelay $0x1  }
0x173: {  	v3 =	vperm.xlane v3, v2;
	v4 =	vadd.s32 v1, v4;
	_ =	sdelay $0x1  }
0x174: {  	v3 =	vadd.s32 v1, v3;
	_ =	sdelay $0x2  }
0x175: {  	[tilespmem:s21], [sflag:$0x2] =	stream.indirect_vreg.gather [hbm4b:s1+s3], $0x80, v4, vm0, $0xb8;
	[tilespmem:$0xC280] =	vst v63  }
0x176: {  	_ = 	snop  }
0x177: {  	[tilespmem:s22], [sflag:$0x2] =	stream.indirect_vreg.gather [hbm4b:s1+s3], $0x80, v3, vm0, $0xb8;
	[tilespmem:$0xC280] =	vst v63  }
0x178: {  	v3 =	vld [tilespmem:$0x200];
	_ =	sdelay $0x4  }
0x179: {  	v60 =	vshll.u32 v3, $0x1  }
0x17a: {  	v3 =	vand.u32 $0x7, v3;
	v4 =	vand.u32 $0xFFFFFFF0, v60  }
0x17b: {  	v3 =	vor.u32 v3, v4  }
0x17c: {  	v4 =	vperm.xlane v3, v0;
	_ =	sdelay $0x1  }
0x17d: {  	v3 =	vperm.xlane v3, v2;
	v4 =	vadd.s32 v1, v4;
	_ =	sdelay $0x1  }
0x17e: {  	v3 =	vadd.s32 v1, v3;
	_ =	sdelay $0x2  }
0x17f: {  	[tilespmem:s23], [sflag:$0x2] =	stream.indirect_vreg.gather [hbm4b:s1+s3], $0x80, v4, vm0, $0xb8;
	[tilespmem:$0xC280] =	vst v63  }
0x180: {  	_ = 	snop  }
0x181: {  	[tilespmem:s24], [sflag:$0x2] =	stream.indirect_vreg.gather [hbm4b:s1+s3], $0x80, v3, vm0, $0xb8;
	[tilespmem:$0xC280] =	vst v63  }
0x182: {  	v3 =	vld [tilespmem:$0x210];
	_ =	sdelay $0x4  }
0x183: {  	v61 =	vshll.u32 v3, $0x1  }
0x184: {  	v3 =	vand.u32 $0x7, v3;
	v4 =	vand.u32 $0xFFFFFFF0, v61  }
0x185: {  	v3 =	vor.u32 v3, v4  }
0x186: {  	v4 =	vperm.xlane v3, v0;
	_ =	sdelay $0x1  }
0x187: {  	v3 =	vperm.xlane v3, v2;
	v4 =	vadd.s32 v1, v4;
	_ =	sdelay $0x1  }
0x188: {  	v3 =	vadd.s32 v1, v3;
	_ =	sdelay $0x2  }
0x189: {  	[tilespmem:s25], [sflag:$0x2] =	stream.indirect_vreg.gather [hbm4b:s1+s3], $0x80, v4, vm0, $0xb8;
	[tilespmem:$0xC280] =	vst v63  }
0x18a: {  	_ = 	snop  }
0x18b: {  	[tilespmem:s26], [sflag:$0x2] =	stream.indirect_vreg.gather [hbm4b:s1+s3], $0x80, v3, vm0, $0xb8;
	[tilespmem:$0xC280] =	vst v63  }
0x18c: {  	v3 =	vld [tilespmem:$0x220];
	_ =	sdelay $0x4  }
0x18d: {  	v62 =	vshll.u32 v3, $0x1  }
0x18e: {  	v3 =	vand.u32 $0x7, v3;
	v4 =	vand.u32 $0xFFFFFFF0, v62  }
0x18f: {  	v3 =	vor.u32 v3, v4  }
0x190: {  	v4 =	vperm.xlane v3, v0;
	_ =	sdelay $0x1  }
0x191: {  	v3 =	vperm.xlane v3, v2;
	v4 =	vadd.s32 v1, v4;
	_ =	sdelay $0x1  }
0x192: {  	v3 =	vadd.s32 v1, v3;
	_ =	sdelay $0x2  }
0x193: {  	[tilespmem:s28], [sflag:$0x2] =	stream.indirect_vreg.gather [hbm4b:s1+s3], $0x80, v4, vm0, $0xb8;
	[tilespmem:$0xC280] =	vst v63  }
0x194: {  	_ = 	snop  }
0x195: {  	[tilespmem:s29], [sflag:$0x2] =	stream.indirect_vreg.gather [hbm4b:s1+s3], $0x80, v3, vm0, $0xb8;
	[tilespmem:$0xC280] =	vst v63  }
0x196: {  	v3 =	vld [tilespmem:$0x230];
	_ =	sdelay $0x4  }
0x197: {  	v63 =	vshll.u32 v3, $0x1  }
0x198: {  	v3 =	vand.u32 $0x7, v3;
	v4 =	vand.u32 $0xFFFFFFF0, v63  }
0x199: {  	v3 =	vor.u32 v3, v4  }
0x19a: {  	v4 =	vperm.xlane v3, v0;
	_ =	sdelay $0x1  }
0x19b: {  	v3 =	vperm.xlane v3, v2;
	v4 =	vadd.s32 v1, v4;
	_ =	sdelay $0x1  }
0x19c: {  	v3 =	vadd.s32 v1, v3;
	_ =	sdelay $0x2  }
0x19d: {  	[tilespmem:s30], [sflag:$0x2] =	stream.indirect_vreg.gather [hbm4b:s1+s3], $0x80, v4, vm0, $0xb8;
	[tilespmem:$0xC280] =	vst v63  }
0x19e: {  	s7 =	simm.s32 $0xBA80  }
0x19f: {  	[tilespmem:s7], [sflag:$0x2] =	stream.indirect_vreg.gather [hbm4b:s1+s3], $0x80, v3, vm0, $0xb8;
	[tilespmem:$0xC280] =	vst v63  }
0x1a0: {  	_ =	swait.ge [sflag:s31], $0x6000  }
0x1a1: {  	[sflag:s31] =	ssyncset.done $0x0  }
0x1a2: {  	s7 =	rddreg [dreg:$0x9];
	[sflag:s31] =	ssyncadd.s32 $0xFFFFA000  }
0x1a3: {  	[hbm4b:s7+s3] =	stream.linear.scatter [tilespmem:s18], [sflag:$0x3], $0x6000, $0x38;
	[tilespmem:$0xC280] =	vst v63  }
0x1a4: {  	_ =	swait.ge [sflag:s0], $0x6000  }
0x1a5: {  	[sflag:s0] =	ssyncset.done $0x0  }
0x1a6: {  	s7 =	rddreg [dreg:$0xa];
	[sflag:s0] =	ssyncadd.s32 $0xFFFFA000  }
0x1a7: {  	[hbm4b:s7+s3] =	stream.linear.scatter [tilespmem:s6], [sflag:$0x4], $0x6000, $0x38;
	[tilespmem:$0xC280] =	vst v63  }
0x1a8: {  	p0 =	sne.s32 s4, $0x1;
	_ =	swait.ge [sflag:s2], $0x6000  }
.Ltmp0:
0x1a9: {  	[sflag:s2] =	ssyncset.done $0x0;
	(pc) =	sbr.rel @p0 .LBB2_1-.Ltmp0, $4  }
0x1aa: {  	[sflag:s2] =	ssyncadd.s32 $0xFFFFA000  }
0x1ab: {  	_ =	swait.ge [sflag:s5], $0x6000  }
0x1ac: {  	[sflag:s5] =	ssyncset.done $0x0  }
0x1ad: {  	s4 =	sadd.s32 $0xFFFFFFFF, s4;
	[sflag:s5] =	ssyncadd.s32 $0xFFFFA000  }
0x1ae: {  	_ =	sfence.sel $0x180000  }
0x1af: {  	[bflag:$0x0] =	sbarrier.arrive $0xFFFF  }
0x1b0: {  	_ =	strace $0x90000047  }
0x1b1: {  	s0 =	stileid.u32;
	[bflag:$0x2] =	sbarrier.arrive $0xFFFF  }
0x1b2: {  	p0 =	sne.s32 s0, $0x0;
	s0 =	rddreg [dreg:$0x3]  }
0x1b3: {  	s0 =	sadd.s32 @!p0 $0x100000, s0  }
0x1b4: {  	[sflag:s0] =	ssyncadd.tile.s32 @!p0 $0x1;
	_ =	shalt  }
.Lfunc_end2:
_tile_overlayer_lowered:
.L_overlay_start_2:
0x1b5: {  	(tag) =	ssettag $0x2  }
0x1b6: {  	s0 =	rddreg [dreg:$0x0];
	s2 =	stileid.u32  }
0x1b7: {  	s1 =	rddreg [dreg:$0x1];
	p0 =	sne.s32 s2, $0x0  }
0x1b8: {  	s3 =	rddreg [dreg:$0x2];
	[bflag:$0x3] =	sbarrier.arrive $0xFFFF;
	s2 =	simm.s32 @!p0 $0x1C05  }
0x1b9: {  	[timem:s3], [sflag:s2] =	dma.local @!p0 [hbm:s0], s1  }
0x1ba: {  	s0 =	simm.s32 @!p0 $0x5  }
0x1bb: {  	_ =	swait.ge @!p0 [sflag:s0], s1  }
0x1bc: {  	s1 =	ssub.s32 @!p0 $0x0, s1;
	[sflag:s0] =	ssyncset.done @!p0 $0x0  }
0x1bd: {  	[sflag:s0] =	ssyncadd.s32 @!p0 s1  }
0x1be: {  	[bflag:$0x3] =	sbarrier.arrive $0xFFFF  }
0x1bf: {  	_ =	shalt  }

</sc_bundles>
